<compile_context>
chip_gen: v7x
topology: tpu7x:2x2x1
jax: 0.10.2.dev20260603
libtpu: 0.0.44.dev20260713+nightly
codegen_flags: <defaults>
</compile_context>

<pallas_src>
import functools

import jax
import jax.numpy as jnp
from jax import lax
from jax.experimental import pallas as pl
from jax.experimental.pallas import tpu as pltpu
from jax.experimental.pallas import tpu_sc as plsc

N = 10000
E = 320000
DIM_IN = 128
DIM_H = 16
DIM_OUT = 16
H = 8
FEAT = 128

NC = 2
NS = 16
NW = NC * NS
EPW = E // NW
EB = 80
KG = EPW // EB

f32 = jnp.float32
i32 = jnp.int32


def _mesh():
    return plsc.VectorSubcoreMesh(core_axis_name="c", subcore_axis_name="s")


def _gather_body(srcf, dstf, xl, xr, xlg, xrg, idx_v, jdx_v, rl_v, rr_v, sem):
    c = lax.axis_index("c")
    s = lax.axis_index("s")
    w = c * NS + s

    def step(j, carry):
        e0 = w * EPW + j * EB
        r = w * KG + j
        pltpu.sync_copy(srcf.at[r], idx_v)
        pltpu.sync_copy(dstf.at[r], jdx_v)
        pltpu.async_copy(xl.at[idx_v], rl_v, sem).wait()
        pltpu.async_copy(xr.at[jdx_v], rr_v, sem).wait()
        pltpu.sync_copy(rl_v, xlg.at[pl.ds(e0, EB)])
        pltpu.sync_copy(rr_v, xrg.at[pl.ds(e0, EB)])
        return carry

    lax.fori_loop(0, KG, step, 0)


_sc_gather = functools.partial(
    pl.kernel,
    out_type=[jax.ShapeDtypeStruct((E, FEAT), f32),
              jax.ShapeDtypeStruct((E, FEAT), f32)],
    scratch_types=[
        pltpu.VMEM((EB,), i32),
        pltpu.VMEM((EB,), i32),
        pltpu.VMEM((EB, FEAT), f32),
        pltpu.VMEM((EB, FEAT), f32),
        pltpu.SemaphoreType.DMA,
    ],
)(_gather_body, mesh=_mesh())


HP = 16
BES = 3200


NACC = 4


def _scatter_tc_body(dst_ref, msg_ref, ex_ref, *accs):
    num_refs = accs[0::2]
    den_refs = accs[1::2]

    @pl.when(pl.program_id(0) == 0)
    def _init():
        for r in accs:
            r[...] = jnp.zeros_like(r)

    def step(i, carry):
        for k in range(NACC):
            e = NACC * i + k
            d = dst_ref[0, e]
            num_refs[k][pl.ds(d, 1), :] = (num_refs[k][pl.ds(d, 1), :]
                                           + msg_ref[pl.ds(e, 1), :])
            den_refs[k][pl.ds(d, 1), :] = (den_refs[k][pl.ds(d, 1), :]
                                           + ex_ref[pl.ds(e, 1), :])
        return carry

    lax.fori_loop(0, BES // NACC, step, 0)


def _scatter_tc(dst, msg, ex):
    acc = lambda i: (0, 0)
    return pl.pallas_call(
        _scatter_tc_body,
        grid=(E // BES,),
        in_specs=[
            pl.BlockSpec((1, BES), lambda i: (0, i), memory_space=pltpu.SMEM),
            pl.BlockSpec((BES, FEAT), lambda i: (i, 0)),
            pl.BlockSpec((BES, HP), lambda i: (i, 0)),
        ],
        out_specs=[pl.BlockSpec((N, FEAT), acc), pl.BlockSpec((N, HP), acc)] * NACC,
        out_shape=[jax.ShapeDtypeStruct((N, FEAT), f32),
                   jax.ShapeDtypeStruct((N, HP), f32)] * NACC,
    )(dst.reshape(1, E), msg, ex)


BN = 1000
BE = 2000


def _mm2_body(x_ref, wl_ref, bl_ref, wr_ref, br_ref, xl_ref, xr_ref):
    x = x_ref[...]
    xl_ref[...] = jnp.dot(x, wl_ref[...], preferred_element_type=f32) + bl_ref[...]
    xr_ref[...] = jnp.dot(x, wr_ref[...], preferred_element_type=f32) + br_ref[...]


def _mm2(x, wl, bl, wr, br):
    blk = lambda i: (i, 0)
    full = lambda i: (0, 0)
    return pl.pallas_call(
        _mm2_body,
        grid=(N // BN,),
        in_specs=[
            pl.BlockSpec((BN, FEAT), blk),
            pl.BlockSpec((FEAT, FEAT), full),
            pl.BlockSpec((1, FEAT), full),
            pl.BlockSpec((FEAT, FEAT), full),
            pl.BlockSpec((1, FEAT), full),
        ],
        out_specs=[pl.BlockSpec((BN, FEAT), blk), pl.BlockSpec((BN, FEAT), blk)],
        out_shape=[jax.ShapeDtypeStruct((N, FEAT), f32),
                   jax.ShapeDtypeStruct((N, FEAT), f32)],
    )(x, wl, bl.reshape(1, FEAT), wr, br.reshape(1, FEAT))


def _edge_body(xlg_ref, xrg_ref, a_ref, p_ref, msg_ref, ex_ref):
    xlg = xlg_ref[...]
    z = xlg + xrg_ref[...]
    lrel = jnp.maximum(z, 0.2 * z)
    logits = jnp.dot(lrel, a_ref[...], preferred_element_type=f32)
    ex = jnp.exp(logits)
    ex_ref[...] = ex
    msg_ref[...] = xlg * jnp.dot(ex, p_ref[...], preferred_element_type=f32)


def _edge_math(xlg, xrg, a_mat, p_mat):
    blk = lambda i: (i, 0)
    full = lambda i: (0, 0)
    return pl.pallas_call(
        _edge_body,
        grid=(E // BE,),
        in_specs=[
            pl.BlockSpec((BE, FEAT), blk),
            pl.BlockSpec((BE, FEAT), blk),
            pl.BlockSpec((FEAT, HP), full),
            pl.BlockSpec((HP, FEAT), full),
        ],
        out_specs=[pl.BlockSpec((BE, FEAT), blk), pl.BlockSpec((BE, HP), blk)],
        out_shape=[jax.ShapeDtypeStruct((E, FEAT), f32),
                   jax.ShapeDtypeStruct((E, HP), f32)],
    )(xlg, xrg, a_mat, p_mat)


def _sum_pairs(acc_refs):
    num = acc_refs[0][...]
    den = acc_refs[1][...]
    for k in range(1, NACC):
        num = num + acc_refs[2 * k][...]
        den = den + acc_refs[2 * k + 1][...]
    return num, den


def _comb1_body(*refs):
    out_ref = refs[-1]
    b_ref = refs[-2]
    p_ref = refs[-3]
    num, den = _sum_pairs(refs[:-3])
    dexp = jnp.dot(den, p_ref[...], preferred_element_type=f32)
    v = num / (dexp + 1e-16) + b_ref[...]
    out_ref[...] = jnp.where(v > 0, v, jnp.exp(v) - 1.0)


def _combine1(accs, p_mat, bias):
    blk = lambda i: (i, 0)
    full = lambda i: (0, 0)
    return pl.pallas_call(
        _comb1_body,
        grid=(N // BN,),
        in_specs=(
            [pl.BlockSpec((BN, FEAT), blk), pl.BlockSpec((BN, HP), blk)] * NACC
            + [pl.BlockSpec((HP, FEAT), full), pl.BlockSpec((1, FEAT), full)]
        ),
        out_specs=pl.BlockSpec((BN, FEAT), blk),
        out_shape=jax.ShapeDtypeStruct((N, FEAT), f32),
    )(*accs, p_mat, bias.reshape(1, FEAT))


def _comb2_body(*refs):
    out_ref = refs[-1]
    b_ref = refs[-2]
    q_ref = refs[-3]
    p_ref = refs[-4]
    num, den = _sum_pairs(refs[:-4])
    dexp = jnp.dot(den, p_ref[...], preferred_element_type=f32)
    r = num / (dexp + 1e-16)
    out_ref[...] = jnp.dot(r, q_ref[...], preferred_element_type=f32) + b_ref[...]


def _combine2(accs, p_mat, q_mat, bias):
    blk = lambda i: (i, 0)
    full = lambda i: (0, 0)
    return pl.pallas_call(
        _comb2_body,
        grid=(N // BN,),
        in_specs=(
            [pl.BlockSpec((BN, FEAT), blk), pl.BlockSpec((BN, HP), blk)] * NACC
            + [pl.BlockSpec((HP, FEAT), full),
               pl.BlockSpec((FEAT, DIM_OUT), full),
               pl.BlockSpec((1, DIM_OUT), full)]
        ),
        out_specs=pl.BlockSpec((BN, DIM_OUT), blk),
        out_shape=jax.ShapeDtypeStruct((N, DIM_OUT), f32),
    )(*accs, p_mat, q_mat, bias.reshape(1, DIM_OUT))


def _layer(x, srcf, dstf, dst, wl, bl, wr, br, att, p_mat):
    xl, xr = _mm2(x, wl, bl, wr, br)
    xlg, xrg = _sc_gather(srcf, dstf, xl, xr)
    a_mat = (att.reshape(H, DIM_H, 1) * jnp.eye(H, dtype=f32)[:, None, :])
    a_mat = a_mat.reshape(FEAT, H)
    a_mat = jnp.concatenate([a_mat, jnp.zeros((FEAT, HP - H), f32)], axis=1)
    msg, ex = _edge_math(xlg, xrg, a_mat, p_mat)
    return _scatter_tc(dst, msg, ex)


def kernel(x, edge_index, W1l, b1l, W1r, b1r, att1, bias1,
           W2l, b2l, W2r, b2r, att2, bias2):
    srcf = edge_index[0].reshape(NW * KG, EB)
    dstf = edge_index[1].reshape(NW * KG, EB)
    dst = edge_index[1]
    p_mat = jnp.concatenate(
        [jnp.repeat(jnp.eye(H, dtype=f32), DIM_H, axis=1),
         jnp.zeros((HP - H, FEAT), f32)], axis=0)
    q_mat = jnp.tile(jnp.eye(DIM_OUT, dtype=f32), (H, 1)) / H

    accs = _layer(x, srcf, dstf, dst, W1l, b1l, W1r, b1r, att1, p_mat)
    h1 = _combine1(accs, p_mat, bias1)
    accs = _layer(h1, srcf, dstf, dst, W2l, b2l, W2r, b2r, att2, p_mat)
    return _combine2(accs, p_mat, q_mat, bias2)

# --- scband reference (transcript-rebuilt; emitter-appended) ---
"""Pipeline reference for scband-gatnet-19018115186852 (READ-ONLY COPY).

The authoritative reference and input builder live on the scoring server;
editing this copy changes nothing except your own understanding.
"""

import jax, jax.numpy as jnp
import numpy as np

N = 10000
E = 320000
DIM_IN = 128
DIM_H = 16
DIM_OUT = 16
H = 8


def setup_inputs(seed: int = 0):
    key = jax.random.key(seed)
    ks = jax.random.split(key, 16)

    def p(i, shape, scale=0.1):
        return jax.random.normal(ks[i], shape, dtype=jnp.float32) * scale

    inp = {}
    inp["x"] = p(0, (N, DIM_IN), 1.0)
    inp["edge_index"] = jax.random.randint(ks[1], (2, E), 0, N, dtype=jnp.int32)
    # GATv2 layer 1: in=DIM_IN, out=DIM_H, heads=H, concat=True
    inp["W1l"] = p(2, (DIM_IN, H * DIM_H))
    inp["b1l"] = jnp.zeros((H * DIM_H,), jnp.float32)
    inp["W1r"] = p(3, (DIM_IN, H * DIM_H))
    inp["b1r"] = jnp.zeros((H * DIM_H,), jnp.float32)
    inp["att1"] = p(4, (1, H, DIM_H))
    inp["bias1"] = jnp.zeros((H * DIM_H,), jnp.float32)
    # GATv2 layer 2: in=H*DIM_H, out=DIM_OUT, heads=H, concat=False
    inp["W2l"] = p(5, (H * DIM_H, H * DIM_OUT))
    inp["b2l"] = jnp.zeros((H * DIM_OUT,), jnp.float32)
    inp["W2r"] = p(6, (H * DIM_H, H * DIM_OUT))
    inp["b2r"] = jnp.zeros((H * DIM_OUT,), jnp.float32)
    inp["att2"] = p(7, (1, H, DIM_OUT))
    inp["bias2"] = jnp.zeros((DIM_OUT,), jnp.float32)
    return inp


def _gatv2_layer(x, src, dst, Wl, bl, Wr, br, att, bias, heads, f_out, concat):
    n = x.shape[0]
    xl = (x @ Wl + bl).reshape(n, heads, f_out)
    xr = (x @ Wr + br).reshape(n, heads, f_out)
    xj = xl[src]  # messages from source nodes [E, H, F]
    xi = xr[dst]  # target-node features [E, H, F]
    e = jax.nn.leaky_relu(xi + xj, negative_slope=0.2)
    logits = jnp.sum(e * att, axis=-1)  # [E, H]
    # segment softmax over incoming edges per dst node
    m = jax.ops.segment_max(logits, dst, num_segments=n)
    m = jnp.where(jnp.isfinite(m), m, 0.0)
    ex = jnp.exp(logits - m[dst])
    denom = jax.ops.segment_sum(ex, dst, num_segments=n)
    alpha = ex / (denom[dst] + 1e-16)
    out = jax.ops.segment_sum(alpha[:, :, None] * xj, dst, num_segments=n)
    if concat:
        out = out.reshape(n, heads * f_out) + bias
    else:
        out = out.mean(axis=1) + bias
    return out


def reference(x, edge_index, W1l, b1l, W1r, b1r, att1, bias1, W2l, b2l, W2r, b2r, att2, bias2):
    src = edge_index[0]
    dst = edge_index[1]
    h = _gatv2_layer(x, src, dst, W1l, b1l, W1r, b1r, att1, bias1, H, DIM_H, True)
    h = jax.nn.elu(h)
    out = _gatv2_layer(h, src, dst, W2l, b2l, W2r, b2r, att2, bias2, H, DIM_OUT, False)
    return out

if __name__ == "__main__":
    import jax
    _d = setup_inputs()
    print(jax.jit(kernel)(*tuple(_d.values())))

</pallas_src>

<mosaic_0001>
#map = affine_map<(d0, d1) -> (0, 0)>
module attributes {stable_mosaic.version = 14 : i64} {
  func.func @_gather_body(%arg0: i32, %arg1: i32, %arg2: memref<4000x80xi32, #tpu.memory_space<hbm>>, %arg3: memref<4000x80xi32, #tpu.memory_space<hbm>>, %arg4: memref<10000x128xf32, #tpu.memory_space<hbm>>, %arg5: memref<10000x128xf32, #tpu.memory_space<hbm>>, %arg6: memref<320000x128xf32, #tpu.memory_space<hbm>>, %arg7: memref<320000x128xf32, #tpu.memory_space<hbm>>, %arg8: memref<80xi32, #tpu.memory_space<vmem>>, %arg9: memref<80xi32, #tpu.memory_space<vmem>>, %arg10: memref<80x128xf32, #tpu.memory_space<vmem>>, %arg11: memref<80x128xf32, #tpu.memory_space<vmem>>, %arg12: memref<!tpu.dma_semaphore, #tpu.memory_space<semaphore_mem>>) attributes {dimension_semantics = [#tpu.dimension_semantics<core_parallel>, #tpu.dimension_semantics<subcore_parallel>], iteration_bounds = array<i64: 2, 16>, scalar_prefetch = 0 : i64, scratch_operands = 5 : i64, tpu.core_type = #tpu.core_type<sc_vector_subcore>, window_params = [{transform_indices = #map}, {transform_indices = #map}, {transform_indices = #map}, {transform_indices = #map}, {transform_indices = #map}, {transform_indices = #map}]} {
    %mul3A = arith.constant 16 : i32
    %mul3A_0 = arith.muli %arg0, %mul3A : i32
    %add3A = arith.addi %mul3A_0, %arg1 : i32
    %scan3A = arith.constant 0 : i32
    %scan3A_1 = arith.constant 0 : i32
    %scan3A_2 = arith.constant 125 : i32
    %scan3A_3 = arith.addi %scan3A_1, %scan3A_2 : i32
    %scan3A_4 = arith.constant 1 : i32
    scf.for %scan3A_6 = %scan3A_1 to %scan3A_3 step %scan3A_4  : i32 {
      %mul3A_7 = arith.constant 10000 : i32
      %mul3A_8 = arith.muli %add3A, %mul3A_7 : i32
      %mul3A_9 = arith.constant 80 : i32
      %mul3A_10 = arith.muli %scan3A_6, %mul3A_9 : i32
      %add3A_11 = arith.addi %mul3A_8, %mul3A_10 : i32
      %mul3A_12 = arith.constant 125 : i32
      %mul3A_13 = arith.muli %add3A, %mul3A_12 : i32
      %add3A_14 = arith.addi %mul3A_13, %scan3A_6 : i32
      "tpu.region"() ({
        %run_scoped3A = tpu.sem_alloc : memref<!tpu.dma_semaphore, #tpu.memory_space<semaphore_mem>>
        %dma_start3A_25 = arith.constant 0 : i32
        %dma_start3A_26 = tpu.memref_slice %arg2[%add3A_14, %dma_start3A_25] : memref<4000x80xi32, #tpu.memory_space<hbm>> -> memref<1x80xi32, #tpu.memory_space<hbm>>
        %dma_start3A_27 = tpu.memref_squeeze %dma_start3A_26 : memref<1x80xi32, #tpu.memory_space<hbm>> -> memref<80xi32, #tpu.memory_space<hbm>>
        %dma_start3A_28 = arith.constant 0 : i32
        %dma_start3A_29 = tpu.memref_slice %arg2[%add3A_14, %dma_start3A_28] : memref<4000x80xi32, #tpu.memory_space<hbm>> -> memref<1x80xi32, #tpu.memory_space<hbm>>
        %dma_start3A_30 = tpu.memref_squeeze %dma_start3A_29 : memref<1x80xi32, #tpu.memory_space<hbm>> -> memref<80xi32, #tpu.memory_space<hbm>>
        tpu.enqueue_dma source(%dma_start3A_30 : memref<80xi32, #tpu.memory_space<hbm>>) target(%arg8 : memref<80xi32, #tpu.memory_space<vmem>>) target_semaphore(%run_scoped3A : memref<!tpu.dma_semaphore, #tpu.memory_space<semaphore_mem>>)
        %dma_wait3A_31 = arith.constant 0 : i32
        %dma_wait3A_32 = tpu.memref_slice %arg2[%add3A_14, %dma_wait3A_31] : memref<4000x80xi32, #tpu.memory_space<hbm>> -> memref<1x80xi32, #tpu.memory_space<hbm>>
        %dma_wait3A_33 = tpu.memref_squeeze %dma_wait3A_32 : memref<1x80xi32, #tpu.memory_space<hbm>> -> memref<80xi32, #tpu.memory_space<hbm>>
        %dma_wait3A_34 = arith.constant 0 : i32
        %dma_wait3A_35 = tpu.memref_slice %arg2[%add3A_14, %dma_wait3A_34] : memref<4000x80xi32, #tpu.memory_space<hbm>> -> memref<1x80xi32, #tpu.memory_space<hbm>>
        %dma_wait3A_36 = tpu.memref_squeeze %dma_wait3A_35 : memref<1x80xi32, #tpu.memory_space<hbm>> -> memref<80xi32, #tpu.memory_space<hbm>>
        tpu.wait_dma2 semaphore(%run_scoped3A : memref<!tpu.dma_semaphore, #tpu.memory_space<semaphore_mem>>) src(%dma_wait3A_36 : memref<80xi32, #tpu.memory_space<hbm>>) dst(%arg8 : memref<80xi32, #tpu.memory_space<vmem>>)
        tpu.yield
      }) : () -> ()
      "tpu.region"() ({
        %run_scoped3A = tpu.sem_alloc : memref<!tpu.dma_semaphore, #tpu.memory_space<semaphore_mem>>
        %dma_start3A_25 = arith.constant 0 : i32
        %dma_start3A_26 = tpu.memref_slice %arg3[%add3A_14, %dma_start3A_25] : memref<4000x80xi32, #tpu.memory_space<hbm>> -> memref<1x80xi32, #tpu.memory_space<hbm>>
        %dma_start3A_27 = tpu.memref_squeeze %dma_start3A_26 : memref<1x80xi32, #tpu.memory_space<hbm>> -> memref<80xi32, #tpu.memory_space<hbm>>
        %dma_start3A_28 = arith.constant 0 : i32
        %dma_start3A_29 = tpu.memref_slice %arg3[%add3A_14, %dma_start3A_28] : memref<4000x80xi32, #tpu.memory_space<hbm>> -> memref<1x80xi32, #tpu.memory_space<hbm>>
        %dma_start3A_30 = tpu.memref_squeeze %dma_start3A_29 : memref<1x80xi32, #tpu.memory_space<hbm>> -> memref<80xi32, #tpu.memory_space<hbm>>
        tpu.enqueue_dma source(%dma_start3A_30 : memref<80xi32, #tpu.memory_space<hbm>>) target(%arg9 : memref<80xi32, #tpu.memory_space<vmem>>) target_semaphore(%run_scoped3A : memref<!tpu.dma_semaphore, #tpu.memory_space<semaphore_mem>>)
        %dma_wait3A_31 = arith.constant 0 : i32
        %dma_wait3A_32 = tpu.memref_slice %arg3[%add3A_14, %dma_wait3A_31] : memref<4000x80xi32, #tpu.memory_space<hbm>> -> memref<1x80xi32, #tpu.memory_space<hbm>>
        %dma_wait3A_33 = tpu.memref_squeeze %dma_wait3A_32 : memref<1x80xi32, #tpu.memory_space<hbm>> -> memref<80xi32, #tpu.memory_space<hbm>>
        %dma_wait3A_34 = arith.constant 0 : i32
        %dma_wait3A_35 = tpu.memref_slice %arg3[%add3A_14, %dma_wait3A_34] : memref<4000x80xi32, #tpu.memory_space<hbm>> -> memref<1x80xi32, #tpu.memory_space<hbm>>
        %dma_wait3A_36 = tpu.memref_squeeze %dma_wait3A_35 : memref<1x80xi32, #tpu.memory_space<hbm>> -> memref<80xi32, #tpu.memory_space<hbm>>
        tpu.wait_dma2 semaphore(%run_scoped3A : memref<!tpu.dma_semaphore, #tpu.memory_space<semaphore_mem>>) src(%dma_wait3A_36 : memref<80xi32, #tpu.memory_space<hbm>>) dst(%arg9 : memref<80xi32, #tpu.memory_space<vmem>>)
        tpu.yield
      }) : () -> ()
      %dma_start3A = arith.constant 0 : i32
      %dma_start3A_15 = arith.constant 0 : i32
      %dma_start3A_16 = tpu.memref_slice %arg4[%dma_start3A, %dma_start3A_15] : memref<10000x128xf32, #tpu.memory_space<hbm>> -> memref<10000x128xf32, #tpu.memory_space<hbm>>
      tpu.enqueue_indirect_dma source(%dma_start3A_16 : memref<10000x128xf32, #tpu.memory_space<hbm>>) target(%arg10 : memref<80x128xf32, #tpu.memory_space<vmem>>) offsets(%arg8 : memref<80xi32, #tpu.memory_space<vmem>>) semaphore(%arg12 : memref<!tpu.dma_semaphore, #tpu.memory_space<semaphore_mem>>)
      %dma_wait3A = arith.constant 0 : i32
      %dma_wait3A_17 = arith.constant 0 : i32
      %dma_wait3A_18 = tpu.memref_slice %arg4[%dma_wait3A, %dma_wait3A_17] : memref<10000x128xf32, #tpu.memory_space<hbm>> -> memref<10000x128xf32, #tpu.memory_space<hbm>>
      tpu.wait_indirect_dma semaphore(%arg12 : memref<!tpu.dma_semaphore, #tpu.memory_space<semaphore_mem>>) src(%dma_wait3A_18 : memref<10000x128xf32, #tpu.memory_space<hbm>>) dst(%arg10 : memref<80x128xf32, #tpu.memory_space<vmem>>)
      %dma_start3A_19 = arith.constant 0 : i32
      %dma_start3A_20 = arith.constant 0 : i32
      %dma_start3A_21 = tpu.memref_slice %arg5[%dma_start3A_19, %dma_start3A_20] : memref<10000x128xf32, #tpu.memory_space<hbm>> -> memref<10000x128xf32, #tpu.memory_space<hbm>>
      tpu.enqueue_indirect_dma source(%dma_start3A_21 : memref<10000x128xf32, #tpu.memory_space<hbm>>) target(%arg11 : memref<80x128xf32, #tpu.memory_space<vmem>>) offsets(%arg9 : memref<80xi32, #tpu.memory_space<vmem>>) semaphore(%arg12 : memref<!tpu.dma_semaphore, #tpu.memory_space<semaphore_mem>>)
      %dma_wait3A_22 = arith.constant 0 : i32
      %dma_wait3A_23 = arith.constant 0 : i32
      %dma_wait3A_24 = tpu.memref_slice %arg5[%dma_wait3A_22, %dma_wait3A_23] : memref<10000x128xf32, #tpu.memory_space<hbm>> -> memref<10000x128xf32, #tpu.memory_space<hbm>>
      tpu.wait_indirect_dma semaphore(%arg12 : memref<!tpu.dma_semaphore, #tpu.memory_space<semaphore_mem>>) src(%dma_wait3A_24 : memref<10000x128xf32, #tpu.memory_space<hbm>>) dst(%arg11 : memref<80x128xf32, #tpu.memory_space<vmem>>)
      "tpu.region"() ({
        %run_scoped3A = tpu.sem_alloc : memref<!tpu.dma_semaphore, #tpu.memory_space<semaphore_mem>>
        %dma_start3A_25 = arith.constant 0 : i32
        %dma_start3A_26 = tpu.memref_slice %arg6[%add3A_11, %dma_start3A_25] : memref<320000x128xf32, #tpu.memory_space<hbm>> -> memref<80x128xf32, #tpu.memory_space<hbm>>
        %dma_start3A_27 = arith.constant 0 : i32
        %dma_start3A_28 = tpu.memref_slice %arg6[%add3A_11, %dma_start3A_27] : memref<320000x128xf32, #tpu.memory_space<hbm>> -> memref<80x128xf32, #tpu.memory_space<hbm>>
        tpu.enqueue_dma source(%arg10 : memref<80x128xf32, #tpu.memory_space<vmem>>) target(%dma_start3A_28 : memref<80x128xf32, #tpu.memory_space<hbm>>) target_semaphore(%run_scoped3A : memref<!tpu.dma_semaphore, #tpu.memory_space<semaphore_mem>>)
        %dma_wait3A_29 = arith.constant 0 : i32
        %dma_wait3A_30 = tpu.memref_slice %arg6[%add3A_11, %dma_wait3A_29] : memref<320000x128xf32, #tpu.memory_space<hbm>> -> memref<80x128xf32, #tpu.memory_space<hbm>>
        %dma_wait3A_31 = arith.constant 0 : i32
        %dma_wait3A_32 = tpu.memref_slice %arg6[%add3A_11, %dma_wait3A_31] : memref<320000x128xf32, #tpu.memory_space<hbm>> -> memref<80x128xf32, #tpu.memory_space<hbm>>
        tpu.wait_dma2 semaphore(%run_scoped3A : memref<!tpu.dma_semaphore, #tpu.memory_space<semaphore_mem>>) src(%arg10 : memref<80x128xf32, #tpu.memory_space<vmem>>) dst(%dma_wait3A_32 : memref<80x128xf32, #tpu.memory_space<hbm>>)
        tpu.yield
      }) : () -> ()
      "tpu.region"() ({
        %run_scoped3A = tpu.sem_alloc : memref<!tpu.dma_semaphore, #tpu.memory_space<semaphore_mem>>
        %dma_start3A_25 = arith.constant 0 : i32
        %dma_start3A_26 = tpu.memref_slice %arg7[%add3A_11, %dma_start3A_25] : memref<320000x128xf32, #tpu.memory_space<hbm>> -> memref<80x128xf32, #tpu.memory_space<hbm>>
        %dma_start3A_27 = arith.constant 0 : i32
        %dma_start3A_28 = tpu.memref_slice %arg7[%add3A_11, %dma_start3A_27] : memref<320000x128xf32, #tpu.memory_space<hbm>> -> memref<80x128xf32, #tpu.memory_space<hbm>>
        tpu.enqueue_dma source(%arg11 : memref<80x128xf32, #tpu.memory_space<vmem>>) target(%dma_start3A_28 : memref<80x128xf32, #tpu.memory_space<hbm>>) target_semaphore(%run_scoped3A : memref<!tpu.dma_semaphore, #tpu.memory_space<semaphore_mem>>)
        %dma_wait3A_29 = arith.constant 0 : i32
        %dma_wait3A_30 = tpu.memref_slice %arg7[%add3A_11, %dma_wait3A_29] : memref<320000x128xf32, #tpu.memory_space<hbm>> -> memref<80x128xf32, #tpu.memory_space<hbm>>
        %dma_wait3A_31 = arith.constant 0 : i32
        %dma_wait3A_32 = tpu.memref_slice %arg7[%add3A_11, %dma_wait3A_31] : memref<320000x128xf32, #tpu.memory_space<hbm>> -> memref<80x128xf32, #tpu.memory_space<hbm>>
        tpu.wait_dma2 semaphore(%run_scoped3A : memref<!tpu.dma_semaphore, #tpu.memory_space<semaphore_mem>>) src(%arg11 : memref<80x128xf32, #tpu.memory_space<vmem>>) dst(%dma_wait3A_32 : memref<80x128xf32, #tpu.memory_space<hbm>>)
        tpu.yield
      }) : () -> ()
    }
    %scan3A_5 = arith.constant 125 : i32
    return
  }
}

#map = affine_map<(d0, d1) -> (0, 0)>
module attributes {stable_mosaic.version = 14 : i64} {
  func.func @_gather_body(%arg0: i32, %arg1: i32, %arg2: memref<4000x80xi32, #tpu.memory_space<hbm>>, %arg3: memref<4000x80xi32, #tpu.memory_space<hbm>>, %arg4: memref<10000x128xf32, #tpu.memory_space<hbm>>, %arg5: memref<10000x128xf32, #tpu.memory_space<hbm>>, %arg6: memref<320000x128xf32, #tpu.memory_space<hbm>>, %arg7: memref<320000x128xf32, #tpu.memory_space<hbm>>, %arg8: memref<80xi32, #tpu.memory_space<vmem>>, %arg9: memref<80xi32, #tpu.memory_space<vmem>>, %arg10: memref<80x128xf32, #tpu.memory_space<vmem>>, %arg11: memref<80x128xf32, #tpu.memory_space<vmem>>, %arg12: memref<!tpu.dma_semaphore, #tpu.memory_space<semaphore_mem>>) attributes {dimension_semantics = [#tpu.dimension_semantics<core_parallel>, #tpu.dimension_semantics<subcore_parallel>], iteration_bounds = array<i64: 2, 16>, scalar_prefetch = 0 : i64, scratch_operands = 5 : i64, tpu.core_type = #tpu.core_type<sc_vector_subcore>, window_params = [{transform_indices = #map}, {transform_indices = #map}, {transform_indices = #map}, {transform_indices = #map}, {transform_indices = #map}, {transform_indices = #map}]} {
    %mul3A = arith.constant 16 : i32
    %mul3A_0 = arith.muli %arg0, %mul3A : i32
    %add3A = arith.addi %mul3A_0, %arg1 : i32
    %scan3A = arith.constant 0 : i32
    %scan3A_1 = arith.constant 0 : i32
    %scan3A_2 = arith.constant 125 : i32
    %scan3A_3 = arith.addi %scan3A_1, %scan3A_2 : i32
    %scan3A_4 = arith.constant 1 : i32
    scf.for %scan3A_6 = %scan3A_1 to %scan3A_3 step %scan3A_4  : i32 {
      %mul3A_7 = arith.constant 10000 : i32
      %mul3A_8 = arith.muli %add3A, %mul3A_7 : i32
      %mul3A_9 = arith.constant 80 : i32
      %mul3A_10 = arith.muli %scan3A_6, %mul3A_9 : i32
      %add3A_11 = arith.addi %mul3A_8, %mul3A_10 : i32
      %mul3A_12 = arith.constant 125 : i32
      %mul3A_13 = arith.muli %add3A, %mul3A_12 : i32
      %add3A_14 = arith.addi %mul3A_13, %scan3A_6 : i32
      "tpu.region"() ({
        %run_scoped3A = tpu.sem_alloc : memref<!tpu.dma_semaphore, #tpu.memory_space<semaphore_mem>>
        %dma_start3A_25 = arith.constant 0 : i32
        %dma_start3A_26 = tpu.memref_slice %arg2[%add3A_14, %dma_start3A_25] : memref<4000x80xi32, #tpu.memory_space<hbm>> -> memref<1x80xi32, #tpu.memory_space<hbm>>
        %dma_start3A_27 = tpu.memref_squeeze %dma_start3A_26 : memref<1x80xi32, #tpu.memory_space<hbm>> -> memref<80xi32, #tpu.memory_space<hbm>>
        %dma_start3A_28 = arith.constant 0 : i32
        %dma_start3A_29 = tpu.memref_slice %arg2[%add3A_14, %dma_start3A_28] : memref<4000x80xi32, #tpu.memory_space<hbm>> -> memref<1x80xi32, #tpu.memory_space<hbm>>
        %dma_start3A_30 = tpu.memref_squeeze %dma_start3A_29 : memref<1x80xi32, #tpu.memory_space<hbm>> -> memref<80xi32, #tpu.memory_space<hbm>>
        tpu.enqueue_dma source(%dma_start3A_30 : memref<80xi32, #tpu.memory_space<hbm>>) target(%arg8 : memref<80xi32, #tpu.memory_space<vmem>>) target_semaphore(%run_scoped3A : memref<!tpu.dma_semaphore, #tpu.memory_space<semaphore_mem>>)
        %dma_wait3A_31 = arith.constant 0 : i32
        %dma_wait3A_32 = tpu.memref_slice %arg2[%add3A_14, %dma_wait3A_31] : memref<4000x80xi32, #tpu.memory_space<hbm>> -> memref<1x80xi32, #tpu.memory_space<hbm>>
        %dma_wait3A_33 = tpu.memref_squeeze %dma_wait3A_32 : memref<1x80xi32, #tpu.memory_space<hbm>> -> memref<80xi32, #tpu.memory_space<hbm>>
        %dma_wait3A_34 = arith.constant 0 : i32
        %dma_wait3A_35 = tpu.memref_slice %arg2[%add3A_14, %dma_wait3A_34] : memref<4000x80xi32, #tpu.memory_space<hbm>> -> memref<1x80xi32, #tpu.memory_space<hbm>>
        %dma_wait3A_36 = tpu.memref_squeeze %dma_wait3A_35 : memref<1x80xi32, #tpu.memory_space<hbm>> -> memref<80xi32, #tpu.memory_space<hbm>>
        tpu.wait_dma2 semaphore(%run_scoped3A : memref<!tpu.dma_semaphore, #tpu.memory_space<semaphore_mem>>) src(%dma_wait3A_36 : memref<80xi32, #tpu.memory_space<hbm>>) dst(%arg8 : memref<80xi32, #tpu.memory_space<vmem>>)
        tpu.yield
      }) : () -> ()
      "tpu.region"() ({
        %run_scoped3A = tpu.sem_alloc : memref<!tpu.dma_semaphore, #tpu.memory_space<semaphore_mem>>
        %dma_start3A_25 = arith.constant 0 : i32
        %dma_start3A_26 = tpu.memref_slice %arg3[%add3A_14, %dma_start3A_25] : memref<4000x80xi32, #tpu.memory_space<hbm>> -> memref<1x80xi32, #tpu.memory_space<hbm>>
        %dma_start3A_27 = tpu.memref_squeeze %dma_start3A_26 : memref<1x80xi32, #tpu.memory_space<hbm>> -> memref<80xi32, #tpu.memory_space<hbm>>
        %dma_start3A_28 = arith.constant 0 : i32
        %dma_start3A_29 = tpu.memref_slice %arg3[%add3A_14, %dma_start3A_28] : memref<4000x80xi32, #tpu.memory_space<hbm>> -> memref<1x80xi32, #tpu.memory_space<hbm>>
        %dma_start3A_30 = tpu.memref_squeeze %dma_start3A_29 : memref<1x80xi32, #tpu.memory_space<hbm>> -> memref<80xi32, #tpu.memory_space<hbm>>
        tpu.enqueue_dma source(%dma_start3A_30 : memref<80xi32, #tpu.memory_space<hbm>>) target(%arg9 : memref<80xi32, #tpu.memory_space<vmem>>) target_semaphore(%run_scoped3A : memref<!tpu.dma_semaphore, #tpu.memory_space<semaphore_mem>>)
        %dma_wait3A_31 = arith.constant 0 : i32
        %dma_wait3A_32 = tpu.memref_slice %arg3[%add3A_14, %dma_wait3A_31] : memref<4000x80xi32, #tpu.memory_space<hbm>> -> memref<1x80xi32, #tpu.memory_space<hbm>>
        %dma_wait3A_33 = tpu.memref_squeeze %dma_wait3A_32 : memref<1x80xi32, #tpu.memory_space<hbm>> -> memref<80xi32, #tpu.memory_space<hbm>>
        %dma_wait3A_34 = arith.constant 0 : i32
        %dma_wait3A_35 = tpu.memref_slice %arg3[%add3A_14, %dma_wait3A_34] : memref<4000x80xi32, #tpu.memory_space<hbm>> -> memref<1x80xi32, #tpu.memory_space<hbm>>
        %dma_wait3A_36 = tpu.memref_squeeze %dma_wait3A_35 : memref<1x80xi32, #tpu.memory_space<hbm>> -> memref<80xi32, #tpu.memory_space<hbm>>
        tpu.wait_dma2 semaphore(%run_scoped3A : memref<!tpu.dma_semaphore, #tpu.memory_space<semaphore_mem>>) src(%dma_wait3A_36 : memref<80xi32, #tpu.memory_space<hbm>>) dst(%arg9 : memref<80xi32, #tpu.memory_space<vmem>>)
        tpu.yield
      }) : () -> ()
      %dma_start3A = arith.constant 0 : i32
      %dma_start3A_15 = arith.constant 0 : i32
      %dma_start3A_16 = tpu.memref_slice %arg4[%dma_start3A, %dma_start3A_15] : memref<10000x128xf32, #tpu.memory_space<hbm>> -> memref<10000x128xf32, #tpu.memory_space<hbm>>
      tpu.enqueue_indirect_dma source(%dma_start3A_16 : memref<10000x128xf32, #tpu.memory_space<hbm>>) target(%arg10 : memref<80x128xf32, #tpu.memory_space<vmem>>) offsets(%arg8 : memref<80xi32, #tpu.memory_space<vmem>>) semaphore(%arg12 : memref<!tpu.dma_semaphore, #tpu.memory_space<semaphore_mem>>)
      %dma_wait3A = arith.constant 0 : i32
      %dma_wait3A_17 = arith.constant 0 : i32
      %dma_wait3A_18 = tpu.memref_slice %arg4[%dma_wait3A, %dma_wait3A_17] : memref<10000x128xf32, #tpu.memory_space<hbm>> -> memref<10000x128xf32, #tpu.memory_space<hbm>>
      tpu.wait_indirect_dma semaphore(%arg12 : memref<!tpu.dma_semaphore, #tpu.memory_space<semaphore_mem>>) src(%dma_wait3A_18 : memref<10000x128xf32, #tpu.memory_space<hbm>>) dst(%arg10 : memref<80x128xf32, #tpu.memory_space<vmem>>)
      %dma_start3A_19 = arith.constant 0 : i32
      %dma_start3A_20 = arith.constant 0 : i32
      %dma_start3A_21 = tpu.memref_slice %arg5[%dma_start3A_19, %dma_start3A_20] : memref<10000x128xf32, #tpu.memory_space<hbm>> -> memref<10000x128xf32, #tpu.memory_space<hbm>>
      tpu.enqueue_indirect_dma source(%dma_start3A_21 : memref<10000x128xf32, #tpu.memory_space<hbm>>) target(%arg11 : memref<80x128xf32, #tpu.memory_space<vmem>>) offsets(%arg9 : memref<80xi32, #tpu.memory_space<vmem>>) semaphore(%arg12 : memref<!tpu.dma_semaphore, #tpu.memory_space<semaphore_mem>>)
      %dma_wait3A_22 = arith.constant 0 : i32
      %dma_wait3A_23 = arith.constant 0 : i32
      %dma_wait3A_24 = tpu.memref_slice %arg5[%dma_wait3A_22, %dma_wait3A_23] : memref<10000x128xf32, #tpu.memory_space<hbm>> -> memref<10000x128xf32, #tpu.memory_space<hbm>>
      tpu.wait_indirect_dma semaphore(%arg12 : memref<!tpu.dma_semaphore, #tpu.memory_space<semaphore_mem>>) src(%dma_wait3A_24 : memref<10000x128xf32, #tpu.memory_space<hbm>>) dst(%arg11 : memref<80x128xf32, #tpu.memory_space<vmem>>)
      "tpu.region"() ({
        %run_scoped3A = tpu.sem_alloc : memref<!tpu.dma_semaphore, #tpu.memory_space<semaphore_mem>>
        %dma_start3A_25 = arith.constant 0 : i32
        %dma_start3A_26 = tpu.memref_slice %arg6[%add3A_11, %dma_start3A_25] : memref<320000x128xf32, #tpu.memory_space<hbm>> -> memref<80x128xf32, #tpu.memory_space<hbm>>
        %dma_start3A_27 = arith.constant 0 : i32
        %dma_start3A_28 = tpu.memref_slice %arg6[%add3A_11, %dma_start3A_27] : memref<320000x128xf32, #tpu.memory_space<hbm>> -> memref<80x128xf32, #tpu.memory_space<hbm>>
        tpu.enqueue_dma source(%arg10 : memref<80x128xf32, #tpu.memory_space<vmem>>) target(%dma_start3A_28 : memref<80x128xf32, #tpu.memory_space<hbm>>) target_semaphore(%run_scoped3A : memref<!tpu.dma_semaphore, #tpu.memory_space<semaphore_mem>>)
        %dma_wait3A_29 = arith.constant 0 : i32
        %dma_wait3A_30 = tpu.memref_slice %arg6[%add3A_11, %dma_wait3A_29] : memref<320000x128xf32, #tpu.memory_space<hbm>> -> memref<80x128xf32, #tpu.memory_space<hbm>>
        %dma_wait3A_31 = arith.constant 0 : i32
        %dma_wait3A_32 = tpu.memref_slice %arg6[%add3A_11, %dma_wait3A_31] : memref<320000x128xf32, #tpu.memory_space<hbm>> -> memref<80x128xf32, #tpu.memory_space<hbm>>
        tpu.wait_dma2 semaphore(%run_scoped3A : memref<!tpu.dma_semaphore, #tpu.memory_space<semaphore_mem>>) src(%arg10 : memref<80x128xf32, #tpu.memory_space<vmem>>) dst(%dma_wait3A_32 : memref<80x128xf32, #tpu.memory_space<hbm>>)
        tpu.yield
      }) : () -> ()
      "tpu.region"() ({
        %run_scoped3A = tpu.sem_alloc : memref<!tpu.dma_semaphore, #tpu.memory_space<semaphore_mem>>
        %dma_start3A_25 = arith.constant 0 : i32
        %dma_start3A_26 = tpu.memref_slice %arg7[%add3A_11, %dma_start3A_25] : memref<320000x128xf32, #tpu.memory_space<hbm>> -> memref<80x128xf32, #tpu.memory_space<hbm>>
        %dma_start3A_27 = arith.constant 0 : i32
        %dma_start3A_28 = tpu.memref_slice %arg7[%add3A_11, %dma_start3A_27] : memref<320000x128xf32, #tpu.memory_space<hbm>> -> memref<80x128xf32, #tpu.memory_space<hbm>>
        tpu.enqueue_dma source(%arg11 : memref<80x128xf32, #tpu.memory_space<vmem>>) target(%dma_start3A_28 : memref<80x128xf32, #tpu.memory_space<hbm>>) target_semaphore(%run_scoped3A : memref<!tpu.dma_semaphore, #tpu.memory_space<semaphore_mem>>)
        %dma_wait3A_29 = arith.constant 0 : i32
        %dma_wait3A_30 = tpu.memref_slice %arg7[%add3A_11, %dma_wait3A_29] : memref<320000x128xf32, #tpu.memory_space<hbm>> -> memref<80x128xf32, #tpu.memory_space<hbm>>
        %dma_wait3A_31 = arith.constant 0 : i32
        %dma_wait3A_32 = tpu.memref_slice %arg7[%add3A_11, %dma_wait3A_31] : memref<320000x128xf32, #tpu.memory_space<hbm>> -> memref<80x128xf32, #tpu.memory_space<hbm>>
        tpu.wait_dma2 semaphore(%run_scoped3A : memref<!tpu.dma_semaphore, #tpu.memory_space<semaphore_mem>>) src(%arg11 : memref<80x128xf32, #tpu.memory_space<vmem>>) dst(%dma_wait3A_32 : memref<80x128xf32, #tpu.memory_space<hbm>>)
        tpu.yield
      }) : () -> ()
    }
    %scan3A_5 = arith.constant 125 : i32
    return
  }
}

module attributes {stable_mosaic.version = 14 : i64} {
  func.func @_mm2_body(%arg0: i32, %arg1: memref<1000x128xf32, #tpu.memory_space<vmem>>, %arg2: memref<128x128xf32, #tpu.memory_space<vmem>>, %arg3: memref<1x128xf32, #tpu.memory_space<vmem>>, %arg4: memref<128x128xf32, #tpu.memory_space<vmem>>, %arg5: memref<1x128xf32, #tpu.memory_space<vmem>>, %arg6: memref<1000x128xf32, #tpu.memory_space<vmem>>, %arg7: memref<1000x128xf32, #tpu.memory_space<vmem>>) attributes {dimension_semantics = [#tpu.dimension_semantics<arbitrary>], iteration_bounds = array<i64: 10>, scalar_prefetch = 0 : i64, scratch_operands = 0 : i64, tpu.core_type = #tpu.core_type<tc>, window_params = [{transform_indices = @transform_0, window_bounds = array<i64: 1000, 128>}, {pipeline_mode = #tpu.pipeline_mode<synchronous>, transform_indices = @transform_1, window_bounds = array<i64: 128, 128>}, {pipeline_mode = #tpu.pipeline_mode<synchronous>, transform_indices = @transform_2, window_bounds = array<i64: 1, 128>}, {pipeline_mode = #tpu.pipeline_mode<synchronous>, transform_indices = @transform_3, window_bounds = array<i64: 128, 128>}, {pipeline_mode = #tpu.pipeline_mode<synchronous>, transform_indices = @transform_4, window_bounds = array<i64: 1, 128>}, {transform_indices = @transform_5, window_bounds = array<i64: 1000, 128>}, {transform_indices = @transform_6, window_bounds = array<i64: 1000, 128>}]} {
    %get3A = arith.constant 0 : index
    %get3A_0 = arith.constant 0 : index
    %get3A_1 = vector.load %arg1[%get3A, %get3A_0] : memref<1000x128xf32, #tpu.memory_space<vmem>>, vector<1000x128xf32>
    %get3A_2 = arith.constant 0 : index
    %get3A_3 = arith.constant 0 : index
    %get3A_4 = vector.load %arg2[%get3A_2, %get3A_3] : memref<128x128xf32, #tpu.memory_space<vmem>>, vector<128x128xf32>
    %dot_general3A = arith.constant dense<0.000000e+00> : vector<1000x128xf32>
    %dot_general3A_5 = tpu.matmul %get3A_1, %get3A_4, %dot_general3A {dimension_numbers = #tpu.dot_dimension_numbers<[1], [0], [0], [1], [0, 0, 1, 1], [], []>, transpose_lhs_hint = false} : vector<1000x128xf32>, vector<128x128xf32>, vector<1000x128xf32> -> vector<1000x128xf32>
    %get3A_6 = arith.constant 0 : index
    %get3A_7 = arith.constant 0 : index
    %get3A_8 = vector.load %arg3[%get3A_6, %get3A_7] : memref<1x128xf32, #tpu.memory_space<vmem>>, vector<1x128xf32>
    %add3A = vector.broadcast %get3A_8 : vector<1x128xf32> to vector<1000x128xf32>
    %add3A_9 = arith.addf %dot_general3A_5, %add3A : vector<1000x128xf32>
    %swap3A = arith.constant 0 : index
    %swap3A_10 = arith.constant 0 : index
    %swap3A_11 = vector.load %arg6[%swap3A, %swap3A_10] : memref<1000x128xf32, #tpu.memory_space<vmem>>, vector<1000x128xf32>
    tpu.vector_store %arg6[%swap3A, %swap3A_10], %add3A_9 {strides = array<i32>} : memref<1000x128xf32, #tpu.memory_space<vmem>>, vector<1000x128xf32>,
    %get3A_12 = arith.constant 0 : index
    %get3A_13 = arith.constant 0 : index
    %get3A_14 = vector.load %arg4[%get3A_12, %get3A_13] : memref<128x128xf32, #tpu.memory_space<vmem>>, vector<128x128xf32>
    %dot_general3A_15 = arith.constant dense<0.000000e+00> : vector<1000x128xf32>
    %dot_general3A_16 = tpu.matmul %get3A_1, %get3A_14, %dot_general3A_15 {dimension_numbers = #tpu.dot_dimension_numbers<[1], [0], [0], [1], [0, 0, 1, 1], [], []>, transpose_lhs_hint = false} : vector<1000x128xf32>, vector<128x128xf32>, vector<1000x128xf32> -> vector<1000x128xf32>
    %get3A_17 = arith.constant 0 : index
    %get3A_18 = arith.constant 0 : index
    %get3A_19 = vector.load %arg5[%get3A_17, %get3A_18] : memref<1x128xf32, #tpu.memory_space<vmem>>, vector<1x128xf32>
    %add3A_20 = vector.broadcast %get3A_19 : vector<1x128xf32> to vector<1000x128xf32>
    %add3A_21 = arith.addf %dot_general3A_16, %add3A_20 : vector<1000x128xf32>
    %swap3A_22 = arith.constant 0 : index
    %swap3A_23 = arith.constant 0 : index
    %swap3A_24 = vector.load %arg7[%swap3A_22, %swap3A_23] : memref<1000x128xf32, #tpu.memory_space<vmem>>, vector<1000x128xf32>
    tpu.vector_store %arg7[%swap3A_22, %swap3A_23], %add3A_21 {strides = array<i32>} : memref<1000x128xf32, #tpu.memory_space<vmem>>, vector<1000x128xf32>,
    return
  }
  func.func @transform_0(%arg0: i32) -> (i32, i32) {
    %c0_i32 = arith.constant 0 : i32
    %c0_i32_0 = arith.constant 0 : i32
    return %arg0, %c0_i32 : i32, i32
  }
  func.func @transform_1(%arg0: i32) -> (i32, i32) {
    %c0_i32 = arith.constant 0 : i32
    %c0_i32_0 = arith.constant 0 : i32
    %c0_i32_1 = arith.constant 0 : i32
    return %c0_i32, %c0_i32_0 : i32, i32
  }
  func.func @transform_2(%arg0: i32) -> (i32, i32) {
    %c0_i32 = arith.constant 0 : i32
    %c0_i32_0 = arith.constant 0 : i32
    %c0_i32_1 = arith.constant 0 : i32
    return %c0_i32, %c0_i32_0 : i32, i32
  }
  func.func @transform_3(%arg0: i32) -> (i32, i32) {
    %c0_i32 = arith.constant 0 : i32
    %c0_i32_0 = arith.constant 0 : i32
    %c0_i32_1 = arith.constant 0 : i32
    return %c0_i32, %c0_i32_0 : i32, i32
  }
  func.func @transform_4(%arg0: i32) -> (i32, i32) {
    %c0_i32 = arith.constant 0 : i32
    %c0_i32_0 = arith.constant 0 : i32
    %c0_i32_1 = arith.constant 0 : i32
    return %c0_i32, %c0_i32_0 : i32, i32
  }
  func.func @transform_5(%arg0: i32) -> (i32, i32) {
    %c0_i32 = arith.constant 0 : i32
    %c0_i32_0 = arith.constant 0 : i32
    return %arg0, %c0_i32 : i32, i32
  }
  func.func @transform_6(%arg0: i32) -> (i32, i32) {
    %c0_i32 = arith.constant 0 : i32
    %c0_i32_0 = arith.constant 0 : i32
    return %arg0, %c0_i32 : i32, i32
  }
}

module attributes {stable_mosaic.version = 14 : i64} {
  func.func @_edge_body(%arg0: i32, %arg1: memref<2000x128xf32, #tpu.memory_space<vmem>>, %arg2: memref<2000x128xf32, #tpu.memory_space<vmem>>, %arg3: memref<128x16xf32, #tpu.memory_space<vmem>>, %arg4: memref<16x128xf32, #tpu.memory_space<vmem>>, %arg5: memref<2000x128xf32, #tpu.memory_space<vmem>>, %arg6: memref<2000x16xf32, #tpu.memory_space<vmem>>) attributes {dimension_semantics = [#tpu.dimension_semantics<arbitrary>], iteration_bounds = array<i64: 160>, scalar_prefetch = 0 : i64, scratch_operands = 0 : i64, tpu.core_type = #tpu.core_type<tc>, window_params = [{transform_indices = @transform_0, window_bounds = array<i64: 2000, 128>}, {transform_indices = @transform_1, window_bounds = array<i64: 2000, 128>}, {pipeline_mode = #tpu.pipeline_mode<synchronous>, transform_indices = @transform_2, window_bounds = array<i64: 128, 16>}, {pipeline_mode = #tpu.pipeline_mode<synchronous>, transform_indices = @transform_3, window_bounds = array<i64: 16, 128>}, {transform_indices = @transform_4, window_bounds = array<i64: 2000, 128>}, {transform_indices = @transform_5, window_bounds = array<i64: 2000, 16>}]} {
    %get3A = arith.constant 0 : index
    %get3A_0 = arith.constant 0 : index
    %get3A_1 = vector.load %arg1[%get3A, %get3A_0] : memref<2000x128xf32, #tpu.memory_space<vmem>>, vector<2000x128xf32>
    %get3A_2 = arith.constant 0 : index
    %get3A_3 = arith.constant 0 : index
    %get3A_4 = vector.load %arg2[%get3A_2, %get3A_3] : memref<2000x128xf32, #tpu.memory_space<vmem>>, vector<2000x128xf32>
    %add3A = arith.addf %get3A_1, %get3A_4 : vector<2000x128xf32>
    %mul3A = arith.constant 2.000000e-01 : f32
    %mul3A_5 = vector.broadcast %mul3A : f32 to vector<2000x128xf32>
    %mul3A_6 = arith.mulf %mul3A_5, %add3A : vector<2000x128xf32>
    %max3A = arith.maximumf %add3A, %mul3A_6 : vector<2000x128xf32>
    %get3A_7 = arith.constant 0 : index
    %get3A_8 = arith.constant 0 : index
    %get3A_9 = vector.load %arg3[%get3A_7, %get3A_8] : memref<128x16xf32, #tpu.memory_space<vmem>>, vector<128x16xf32>
    %dot_general3A = arith.constant dense<0.000000e+00> : vector<2000x16xf32>
    %dot_general3A_10 = tpu.matmul %max3A, %get3A_9, %dot_general3A {dimension_numbers = #tpu.dot_dimension_numbers<[1], [0], [0], [1], [0, 0, 1, 1], [], []>, transpose_lhs_hint = false} : vector<2000x128xf32>, vector<128x16xf32>, vector<2000x16xf32> -> vector<2000x16xf32>
    %exp3A = math.exp %dot_general3A_10 : vector<2000x16xf32>
    %swap3A = arith.constant 0 : index
    %swap3A_11 = arith.constant 0 : index
    %swap3A_12 = vector.load %arg6[%swap3A, %swap3A_11] : memref<2000x16xf32, #tpu.memory_space<vmem>>, vector<2000x16xf32>
    tpu.vector_store %arg6[%swap3A, %swap3A_11], %exp3A {strides = array<i32>} : memref<2000x16xf32, #tpu.memory_space<vmem>>, vector<2000x16xf32>,
    %get3A_13 = arith.constant 0 : index
    %get3A_14 = arith.constant 0 : index
    %get3A_15 = vector.load %arg4[%get3A_13, %get3A_14] : memref<16x128xf32, #tpu.memory_space<vmem>>, vector<16x128xf32>
    %dot_general3A_16 = arith.constant dense<0.000000e+00> : vector<2000x128xf32>
    %dot_general3A_17 = tpu.matmul %exp3A, %get3A_15, %dot_general3A_16 {dimension_numbers = #tpu.dot_dimension_numbers<[1], [0], [0], [1], [0, 0, 1, 1], [], []>, transpose_lhs_hint = false} : vector<2000x16xf32>, vector<16x128xf32>, vector<2000x128xf32> -> vector<2000x128xf32>
    %mul3A_18 = arith.mulf %get3A_1, %dot_general3A_17 : vector<2000x128xf32>
    %swap3A_19 = arith.constant 0 : index
    %swap3A_20 = arith.constant 0 : index
    %swap3A_21 = vector.load %arg5[%swap3A_19, %swap3A_20] : memref<2000x128xf32, #tpu.memory_space<vmem>>, vector<2000x128xf32>
    tpu.vector_store %arg5[%swap3A_19, %swap3A_20], %mul3A_18 {strides = array<i32>} : memref<2000x128xf32, #tpu.memory_space<vmem>>, vector<2000x128xf32>,
    return
  }
  func.func @transform_0(%arg0: i32) -> (i32, i32) {
    %c0_i32 = arith.constant 0 : i32
    %c0_i32_0 = arith.constant 0 : i32
    return %arg0, %c0_i32 : i32, i32
  }
  func.func @transform_1(%arg0: i32) -> (i32, i32) {
    %c0_i32 = arith.constant 0 : i32
    %c0_i32_0 = arith.constant 0 : i32
    return %arg0, %c0_i32 : i32, i32
  }
  func.func @transform_2(%arg0: i32) -> (i32, i32) {
    %c0_i32 = arith.constant 0 : i32
    %c0_i32_0 = arith.constant 0 : i32
    %c0_i32_1 = arith.constant 0 : i32
    return %c0_i32, %c0_i32_0 : i32, i32
  }
  func.func @transform_3(%arg0: i32) -> (i32, i32) {
    %c0_i32 = arith.constant 0 : i32
    %c0_i32_0 = arith.constant 0 : i32
    %c0_i32_1 = arith.constant 0 : i32
    return %c0_i32, %c0_i32_0 : i32, i32
  }
  func.func @transform_4(%arg0: i32) -> (i32, i32) {
    %c0_i32 = arith.constant 0 : i32
    %c0_i32_0 = arith.constant 0 : i32
    return %arg0, %c0_i32 : i32, i32
  }
  func.func @transform_5(%arg0: i32) -> (i32, i32) {
    %c0_i32 = arith.constant 0 : i32
    %c0_i32_0 = arith.constant 0 : i32
    return %arg0, %c0_i32 : i32, i32
  }
}

module attributes {stable_mosaic.version = 14 : i64} {
  func.func @_scatter_tc_body(%arg0: i32, %arg1: memref<1x3200xi32, #tpu.memory_space<smem>>, %arg2: memref<3200x128xf32, #tpu.memory_space<vmem>>, %arg3: memref<3200x16xf32, #tpu.memory_space<vmem>>, %arg4: memref<10000x128xf32, #tpu.memory_space<vmem>>, %arg5: memref<10000x16xf32, #tpu.memory_space<vmem>>, %arg6: memref<10000x128xf32, #tpu.memory_space<vmem>>, %arg7: memref<10000x16xf32, #tpu.memory_space<vmem>>, %arg8: memref<10000x128xf32, #tpu.memory_space<vmem>>, %arg9: memref<10000x16xf32, #tpu.memory_space<vmem>>, %arg10: memref<10000x128xf32, #tpu.memory_space<vmem>>, %arg11: memref<10000x16xf32, #tpu.memory_space<vmem>>) attributes {dimension_semantics = [#tpu.dimension_semantics<arbitrary>], iteration_bounds = array<i64: 100>, scalar_prefetch = 0 : i64, scratch_operands = 0 : i64, tpu.core_type = #tpu.core_type<tc>, window_params = [{transform_indices = @transform_0, window_bounds = array<i64: 1, 3200>}, {transform_indices = @transform_1, window_bounds = array<i64: 3200, 128>}, {transform_indices = @transform_2, window_bounds = array<i64: 3200, 16>}, {pipeline_mode = #tpu.pipeline_mode<synchronous>, transform_indices = @transform_3, window_bounds = array<i64: 10000, 128>}, {pipeline_mode = #tpu.pipeline_mode<synchronous>, transform_indices = @transform_4, window_bounds = array<i64: 10000, 16>}, {pipeline_mode = #tpu.pipeline_mode<synchronous>, transform_indices = @transform_5, window_bounds = array<i64: 10000, 128>}, {pipeline_mode = #tpu.pipeline_mode<synchronous>, transform_indices = @transform_6, window_bounds = array<i64: 10000, 16>}, {pipeline_mode = #tpu.pipeline_mode<synchronous>, transform_indices = @transform_7, window_bounds = array<i64: 10000, 128>}, {pipeline_mode = #tpu.pipeline_mode<synchronous>, transform_indices = @transform_8, window_bounds = array<i64: 10000, 16>}, {pipeline_mode = #tpu.pipeline_mode<synchronous>, transform_indices = @transform_9, window_bounds = array<i64: 10000, 128>}, {pipeline_mode = #tpu.pipeline_mode<synchronous>, transform_indices = @transform_10, window_bounds = array<i64: 10000, 16>}]} {
    %eq3A = arith.constant 0 : i32
    %eq3A_0 = arith.cmpi eq, %arg0, %eq3A : i32
    %convert_element_type3A = arith.extui %eq3A_0 : i1 to i32
    %cond3A = arith.constant 0 : i32
    %cond3A_1 = arith.cmpi ne, %convert_element_type3A, %cond3A : i32
    scf.if %cond3A_1 {
      %broadcast_in_dim3A = arith.constant 0.000000e+00 : f32
      %broadcast_in_dim3A_6 = vector.broadcast %broadcast_in_dim3A : f32 to vector<10000x128xf32>
      %swap3A = arith.constant 0 : index
      %swap3A_7 = arith.constant 0 : index
      %swap3A_8 = vector.load %arg4[%swap3A, %swap3A_7] : memref<10000x128xf32, #tpu.memory_space<vmem>>, vector<10000x128xf32>
      tpu.vector_store %arg4[%swap3A, %swap3A_7], %broadcast_in_dim3A_6 {strides = array<i32>} : memref<10000x128xf32, #tpu.memory_space<vmem>>, vector<10000x128xf32>,
      %broadcast_in_dim3A_9 = arith.constant 0.000000e+00 : f32
      %broadcast_in_dim3A_10 = vector.broadcast %broadcast_in_dim3A_9 : f32 to vector<10000x16xf32>
      %swap3A_11 = arith.constant 0 : index
      %swap3A_12 = arith.constant 0 : index
      %swap3A_13 = vector.load %arg5[%swap3A_11, %swap3A_12] : memref<10000x16xf32, #tpu.memory_space<vmem>>, vector<10000x16xf32>
      tpu.vector_store %arg5[%swap3A_11, %swap3A_12], %broadcast_in_dim3A_10 {strides = array<i32>} : memref<10000x16xf32, #tpu.memory_space<vmem>>, vector<10000x16xf32>,
      %broadcast_in_dim3A_14 = arith.constant 0.000000e+00 : f32
      %broadcast_in_dim3A_15 = vector.broadcast %broadcast_in_dim3A_14 : f32 to vector<10000x128xf32>
      %swap3A_16 = arith.constant 0 : index
      %swap3A_17 = arith.constant 0 : index
      %swap3A_18 = vector.load %arg6[%swap3A_16, %swap3A_17] : memref<10000x128xf32, #tpu.memory_space<vmem>>, vector<10000x128xf32>
      tpu.vector_store %arg6[%swap3A_16, %swap3A_17], %broadcast_in_dim3A_15 {strides = array<i32>} : memref<10000x128xf32, #tpu.memory_space<vmem>>, vector<10000x128xf32>,
      %broadcast_in_dim3A_19 = arith.constant 0.000000e+00 : f32
      %broadcast_in_dim3A_20 = vector.broadcast %broadcast_in_dim3A_19 : f32 to vector<10000x16xf32>
      %swap3A_21 = arith.constant 0 : index
      %swap3A_22 = arith.constant 0 : index
      %swap3A_23 = vector.load %arg7[%swap3A_21, %swap3A_22] : memref<10000x16xf32, #tpu.memory_space<vmem>>, vector<10000x16xf32>
      tpu.vector_store %arg7[%swap3A_21, %swap3A_22], %broadcast_in_dim3A_20 {strides = array<i32>} : memref<10000x16xf32, #tpu.memory_space<vmem>>, vector<10000x16xf32>,
      %broadcast_in_dim3A_24 = arith.constant 0.000000e+00 : f32
      %broadcast_in_dim3A_25 = vector.broadcast %broadcast_in_dim3A_24 : f32 to vector<10000x128xf32>
      %swap3A_26 = arith.constant 0 : index
      %swap3A_27 = arith.constant 0 : index
      %swap3A_28 = vector.load %arg8[%swap3A_26, %swap3A_27] : memref<10000x128xf32, #tpu.memory_space<vmem>>, vector<10000x128xf32>
      tpu.vector_store %arg8[%swap3A_26, %swap3A_27], %broadcast_in_dim3A_25 {strides = array<i32>} : memref<10000x128xf32, #tpu.memory_space<vmem>>, vector<10000x128xf32>,
      %broadcast_in_dim3A_29 = arith.constant 0.000000e+00 : f32
      %broadcast_in_dim3A_30 = vector.broadcast %broadcast_in_dim3A_29 : f32 to vector<10000x16xf32>
      %swap3A_31 = arith.constant 0 : index
      %swap3A_32 = arith.constant 0 : index
      %swap3A_33 = vector.load %arg9[%swap3A_31, %swap3A_32] : memref<10000x16xf32, #tpu.memory_space<vmem>>, vector<10000x16xf32>
      tpu.vector_store %arg9[%swap3A_31, %swap3A_32], %broadcast_in_dim3A_30 {strides = array<i32>} : memref<10000x16xf32, #tpu.memory_space<vmem>>, vector<10000x16xf32>,
      %broadcast_in_dim3A_34 = arith.constant 0.000000e+00 : f32
      %broadcast_in_dim3A_35 = vector.broadcast %broadcast_in_dim3A_34 : f32 to vector<10000x128xf32>
      %swap3A_36 = arith.constant 0 : index
      %swap3A_37 = arith.constant 0 : index
      %swap3A_38 = vector.load %arg10[%swap3A_36, %swap3A_37] : memref<10000x128xf32, #tpu.memory_space<vmem>>, vector<10000x128xf32>
      tpu.vector_store %arg10[%swap3A_36, %swap3A_37], %broadcast_in_dim3A_35 {strides = array<i32>} : memref<10000x128xf32, #tpu.memory_space<vmem>>, vector<10000x128xf32>,
      %broadcast_in_dim3A_39 = arith.constant 0.000000e+00 : f32
      %broadcast_in_dim3A_40 = vector.broadcast %broadcast_in_dim3A_39 : f32 to vector<10000x16xf32>
      %swap3A_41 = arith.constant 0 : index
      %swap3A_42 = arith.constant 0 : index
      %swap3A_43 = vector.load %arg11[%swap3A_41, %swap3A_42] : memref<10000x16xf32, #tpu.memory_space<vmem>>, vector<10000x16xf32>
      tpu.vector_store %arg11[%swap3A_41, %swap3A_42], %broadcast_in_dim3A_40 {strides = array<i32>} : memref<10000x16xf32, #tpu.memory_space<vmem>>, vector<10000x16xf32>,
    } else {
    }
    %scan3A = arith.constant 0 : i32
    %scan3A_2 = arith.constant 800 : i32
    %scan3A_3 = arith.addi %scan3A, %scan3A_2 : i32
    %scan3A_4 = arith.constant 1 : i32
    scf.for %scan3A_6 = %scan3A to %scan3A_3 step %scan3A_4  : i32 {
      %mul3A = arith.constant 4 : i32
      %mul3A_7 = arith.muli %mul3A, %scan3A_6 : i32
      %add3A = arith.constant 0 : i32
      %add3A_8 = arith.addi %mul3A_7, %add3A : i32
      %get3A = arith.constant 0 : index
      %get3A_9 = arith.index_cast %add3A_8 : i32 to index
      %get3A_10 = memref.load %arg1[%get3A, %get3A_9] : memref<1x3200xi32, #tpu.memory_space<smem>>
      %get3A_11 = arith.index_cast %get3A_10 : i32 to index
      %get3A_12 = arith.constant 0 : index
      %get3A_13 = vector.load %arg4[%get3A_11, %get3A_12] : memref<10000x128xf32, #tpu.memory_space<vmem>>, vector<1x128xf32>
      %get3A_14 = arith.index_cast %add3A_8 : i32 to index
      %get3A_15 = arith.constant 0 : index
      %get3A_16 = vector.load %arg2[%get3A_14, %get3A_15] : memref<3200x128xf32, #tpu.memory_space<vmem>>, vector<1x128xf32>
      %add3A_17 = arith.addf %get3A_13, %get3A_16 : vector<1x128xf32>
      %swap3A = arith.index_cast %get3A_10 : i32 to index
      %swap3A_18 = arith.constant 0 : index
      %swap3A_19 = vector.load %arg4[%swap3A, %swap3A_18] : memref<10000x128xf32, #tpu.memory_space<vmem>>, vector<1x128xf32>
      tpu.vector_store %arg4[%swap3A, %swap3A_18], %add3A_17 {strides = array<i32>} : memref<10000x128xf32, #tpu.memory_space<vmem>>, vector<1x128xf32>,
      %get3A_20 = arith.index_cast %get3A_10 : i32 to index
      %get3A_21 = arith.constant 0 : index
      %get3A_22 = vector.load %arg5[%get3A_20, %get3A_21] : memref<10000x16xf32, #tpu.memory_space<vmem>>, vector<1x16xf32>
      %get3A_23 = arith.index_cast %add3A_8 : i32 to index
      %get3A_24 = arith.constant 0 : index
      %get3A_25 = vector.load %arg3[%get3A_23, %get3A_24] : memref<3200x16xf32, #tpu.memory_space<vmem>>, vector<1x16xf32>
      %add3A_26 = arith.addf %get3A_22, %get3A_25 : vector<1x16xf32>
      %swap3A_27 = arith.index_cast %get3A_10 : i32 to index
      %swap3A_28 = arith.constant 0 : index
      %swap3A_29 = vector.load %arg5[%swap3A_27, %swap3A_28] : memref<10000x16xf32, #tpu.memory_space<vmem>>, vector<1x16xf32>
      tpu.vector_store %arg5[%swap3A_27, %swap3A_28], %add3A_26 {strides = array<i32>} : memref<10000x16xf32, #tpu.memory_space<vmem>>, vector<1x16xf32>,
      %mul3A_30 = arith.constant 4 : i32
      %mul3A_31 = arith.muli %mul3A_30, %scan3A_6 : i32
      %add3A_32 = arith.constant 1 : i32
      %add3A_33 = arith.addi %mul3A_31, %add3A_32 : i32
      %get3A_34 = arith.constant 0 : index
      %get3A_35 = arith.index_cast %add3A_33 : i32 to index
      %get3A_36 = memref.load %arg1[%get3A_34, %get3A_35] : memref<1x3200xi32, #tpu.memory_space<smem>>
      %get3A_37 = arith.index_cast %get3A_36 : i32 to index
      %get3A_38 = arith.constant 0 : index
      %get3A_39 = vector.load %arg6[%get3A_37, %get3A_38] : memref<10000x128xf32, #tpu.memory_space<vmem>>, vector<1x128xf32>
      %get3A_40 = arith.index_cast %add3A_33 : i32 to index
      %get3A_41 = arith.constant 0 : index
      %get3A_42 = vector.load %arg2[%get3A_40, %get3A_41] : memref<3200x128xf32, #tpu.memory_space<vmem>>, vector<1x128xf32>
      %add3A_43 = arith.addf %get3A_39, %get3A_42 : vector<1x128xf32>
      %swap3A_44 = arith.index_cast %get3A_36 : i32 to index
      %swap3A_45 = arith.constant 0 : index
      %swap3A_46 = vector.load %arg6[%swap3A_44, %swap3A_45] : memref<10000x128xf32, #tpu.memory_space<vmem>>, vector<1x128xf32>
      tpu.vector_store %arg6[%swap3A_44, %swap3A_45], %add3A_43 {strides = array<i32>} : memref<10000x128xf32, #tpu.memory_space<vmem>>, vector<1x128xf32>,
      %get3A_47 = arith.index_cast %get3A_36 : i32 to index
      %get3A_48 = arith.constant 0 : index
      %get3A_49 = vector.load %arg7[%get3A_47, %get3A_48] : memref<10000x16xf32, #tpu.memory_space<vmem>>, vector<1x16xf32>
      %get3A_50 = arith.index_cast %add3A_33 : i32 to index
      %get3A_51 = arith.constant 0 : index
      %get3A_52 = vector.load %arg3[%get3A_50, %get3A_51] : memref<3200x16xf32, #tpu.memory_space<vmem>>, vector<1x16xf32>
      %add3A_53 = arith.addf %get3A_49, %get3A_52 : vector<1x16xf32>
      %swap3A_54 = arith.index_cast %get3A_36 : i32 to index
      %swap3A_55 = arith.constant 0 : index
      %swap3A_56 = vector.load %arg7[%swap3A_54, %swap3A_55] : memref<10000x16xf32, #tpu.memory_space<vmem>>, vector<1x16xf32>
      tpu.vector_store %arg7[%swap3A_54, %swap3A_55], %add3A_53 {strides = array<i32>} : memref<10000x16xf32, #tpu.memory_space<vmem>>, vector<1x16xf32>,
      %mul3A_57 = arith.constant 4 : i32
      %mul3A_58 = arith.muli %mul3A_57, %scan3A_6 : i32
      %add3A_59 = arith.constant 2 : i32
      %add3A_60 = arith.addi %mul3A_58, %add3A_59 : i32
      %get3A_61 = arith.constant 0 : index
      %get3A_62 = arith.index_cast %add3A_60 : i32 to index
      %get3A_63 = memref.load %arg1[%get3A_61, %get3A_62] : memref<1x3200xi32, #tpu.memory_space<smem>>
      %get3A_64 = arith.index_cast %get3A_63 : i32 to index
      %get3A_65 = arith.constant 0 : index
      %get3A_66 = vector.load %arg8[%get3A_64, %get3A_65] : memref<10000x128xf32, #tpu.memory_space<vmem>>, vector<1x128xf32>
      %get3A_67 = arith.index_cast %add3A_60 : i32 to index
      %get3A_68 = arith.constant 0 : index
      %get3A_69 = vector.load %arg2[%get3A_67, %get3A_68] : memref<3200x128xf32, #tpu.memory_space<vmem>>, vector<1x128xf32>
      %add3A_70 = arith.addf %get3A_66, %get3A_69 : vector<1x128xf32>
      %swap3A_71 = arith.index_cast %get3A_63 : i32 to index
      %swap3A_72 = arith.constant 0 : index
      %swap3A_73 = vector.load %arg8[%swap3A_71, %swap3A_72] : memref<10000x128xf32, #tpu.memory_space<vmem>>, vector<1x128xf32>
      tpu.vector_store %arg8[%swap3A_71, %swap3A_72], %add3A_70 {strides = array<i32>} : memref<10000x128xf32, #tpu.memory_space<vmem>>, vector<1x128xf32>,
      %get3A_74 = arith.index_cast %get3A_63 : i32 to index
      %get3A_75 = arith.constant 0 : index
      %get3A_76 = vector.load %arg9[%get3A_74, %get3A_75] : memref<10000x16xf32, #tpu.memory_space<vmem>>, vector<1x16xf32>
      %get3A_77 = arith.index_cast %add3A_60 : i32 to index
      %get3A_78 = arith.constant 0 : index
      %get3A_79 = vector.load %arg3[%get3A_77, %get3A_78] : memref<3200x16xf32, #tpu.memory_space<vmem>>, vector<1x16xf32>
      %add3A_80 = arith.addf %get3A_76, %get3A_79 : vector<1x16xf32>
      %swap3A_81 = arith.index_cast %get3A_63 : i32 to index
      %swap3A_82 = arith.constant 0 : index
      %swap3A_83 = vector.load %arg9[%swap3A_81, %swap3A_82] : memref<10000x16xf32, #tpu.memory_space<vmem>>, vector<1x16xf32>
      tpu.vector_store %arg9[%swap3A_81, %swap3A_82], %add3A_80 {strides = array<i32>} : memref<10000x16xf32, #tpu.memory_space<vmem>>, vector<1x16xf32>,
      %mul3A_84 = arith.constant 4 : i32
      %mul3A_85 = arith.muli %mul3A_84, %scan3A_6 : i32
      %add3A_86 = arith.constant 3 : i32
      %add3A_87 = arith.addi %mul3A_85, %add3A_86 : i32
      %get3A_88 = arith.constant 0 : index
      %get3A_89 = arith.index_cast %add3A_87 : i32 to index
      %get3A_90 = memref.load %arg1[%get3A_88, %get3A_89] : memref<1x3200xi32, #tpu.memory_space<smem>>
      %get3A_91 = arith.index_cast %get3A_90 : i32 to index
      %get3A_92 = arith.constant 0 : index
      %get3A_93 = vector.load %arg10[%get3A_91, %get3A_92] : memref<10000x128xf32, #tpu.memory_space<vmem>>, vector<1x128xf32>
      %get3A_94 = arith.index_cast %add3A_87 : i32 to index
      %get3A_95 = arith.constant 0 : index
      %get3A_96 = vector.load %arg2[%get3A_94, %get3A_95] : memref<3200x128xf32, #tpu.memory_space<vmem>>, vector<1x128xf32>
      %add3A_97 = arith.addf %get3A_93, %get3A_96 : vector<1x128xf32>
      %swap3A_98 = arith.index_cast %get3A_90 : i32 to index
      %swap3A_99 = arith.constant 0 : index
      %swap3A_100 = vector.load %arg10[%swap3A_98, %swap3A_99] : memref<10000x128xf32, #tpu.memory_space<vmem>>, vector<1x128xf32>
      tpu.vector_store %arg10[%swap3A_98, %swap3A_99], %add3A_97 {strides = array<i32>} : memref<10000x128xf32, #tpu.memory_space<vmem>>, vector<1x128xf32>,
      %get3A_101 = arith.index_cast %get3A_90 : i32 to index
      %get3A_102 = arith.constant 0 : index
      %get3A_103 = vector.load %arg11[%get3A_101, %get3A_102] : memref<10000x16xf32, #tpu.memory_space<vmem>>, vector<1x16xf32>
      %get3A_104 = arith.index_cast %add3A_87 : i32 to index
      %get3A_105 = arith.constant 0 : index
      %get3A_106 = vector.load %arg3[%get3A_104, %get3A_105] : memref<3200x16xf32, #tpu.memory_space<vmem>>, vector<1x16xf32>
      %add3A_107 = arith.addf %get3A_103, %get3A_106 : vector<1x16xf32>
      %swap3A_108 = arith.index_cast %get3A_90 : i32 to index
      %swap3A_109 = arith.constant 0 : index
      %swap3A_110 = vector.load %arg11[%swap3A_108, %swap3A_109] : memref<10000x16xf32, #tpu.memory_space<vmem>>, vector<1x16xf32>
      tpu.vector_store %arg11[%swap3A_108, %swap3A_109], %add3A_107 {strides = array<i32>} : memref<10000x16xf32, #tpu.memory_space<vmem>>, vector<1x16xf32>,
    }
    %scan3A_5 = arith.constant 800 : i32
    return
  }
  func.func @transform_0(%arg0: i32) -> (i32, i32) {
    %c0_i32 = arith.constant 0 : i32
    %c0_i32_0 = arith.constant 0 : i32
    return %c0_i32, %arg0 : i32, i32
  }
  func.func @transform_1(%arg0: i32) -> (i32, i32) {
    %c0_i32 = arith.constant 0 : i32
    %c0_i32_0 = arith.constant 0 : i32
    return %arg0, %c0_i32 : i32, i32
  }
  func.func @transform_2(%arg0: i32) -> (i32, i32) {
    %c0_i32 = arith.constant 0 : i32
    %c0_i32_0 = arith.constant 0 : i32
    return %arg0, %c0_i32 : i32, i32
  }
  func.func @transform_3(%arg0: i32) -> (i32, i32) {
    %c0_i32 = arith.constant 0 : i32
    %c0_i32_0 = arith.constant 0 : i32
    %c0_i32_1 = arith.constant 0 : i32
    return %c0_i32, %c0_i32_0 : i32, i32
  }
  func.func @transform_4(%arg0: i32) -> (i32, i32) {
    %c0_i32 = arith.constant 0 : i32
    %c0_i32_0 = arith.constant 0 : i32
    %c0_i32_1 = arith.constant 0 : i32
    return %c0_i32, %c0_i32_0 : i32, i32
  }
  func.func @transform_5(%arg0: i32) -> (i32, i32) {
    %c0_i32 = arith.constant 0 : i32
    %c0_i32_0 = arith.constant 0 : i32
    %c0_i32_1 = arith.constant 0 : i32
    return %c0_i32, %c0_i32_0 : i32, i32
  }
  func.func @transform_6(%arg0: i32) -> (i32, i32) {
    %c0_i32 = arith.constant 0 : i32
    %c0_i32_0 = arith.constant 0 : i32
    %c0_i32_1 = arith.constant 0 : i32
    return %c0_i32, %c0_i32_0 : i32, i32
  }
  func.func @transform_7(%arg0: i32) -> (i32, i32) {
    %c0_i32 = arith.constant 0 : i32
    %c0_i32_0 = arith.constant 0 : i32
    %c0_i32_1 = arith.constant 0 : i32
    return %c0_i32, %c0_i32_0 : i32, i32
  }
  func.func @transform_8(%arg0: i32) -> (i32, i32) {
    %c0_i32 = arith.constant 0 : i32
    %c0_i32_0 = arith.constant 0 : i32
    %c0_i32_1 = arith.constant 0 : i32
    return %c0_i32, %c0_i32_0 : i32, i32
  }
  func.func @transform_9(%arg0: i32) -> (i32, i32) {
    %c0_i32 = arith.constant 0 : i32
    %c0_i32_0 = arith.constant 0 : i32
    %c0_i32_1 = arith.constant 0 : i32
    return %c0_i32, %c0_i32_0 : i32, i32
  }
  func.func @transform_10(%arg0: i32) -> (i32, i32) {
    %c0_i32 = arith.constant 0 : i32
    %c0_i32_0 = arith.constant 0 : i32
    %c0_i32_1 = arith.constant 0 : i32
    return %c0_i32, %c0_i32_0 : i32, i32
  }
}

module attributes {stable_mosaic.version = 14 : i64} {
  func.func @_comb1_body(%arg0: i32, %arg1: memref<1000x128xf32, #tpu.memory_space<vmem>>, %arg2: memref<1000x16xf32, #tpu.memory_space<vmem>>, %arg3: memref<1000x128xf32, #tpu.memory_space<vmem>>, %arg4: memref<1000x16xf32, #tpu.memory_space<vmem>>, %arg5: memref<1000x128xf32, #tpu.memory_space<vmem>>, %arg6: memref<1000x16xf32, #tpu.memory_space<vmem>>, %arg7: memref<1000x128xf32, #tpu.memory_space<vmem>>, %arg8: memref<1000x16xf32, #tpu.memory_space<vmem>>, %arg9: memref<16x128xf32, #tpu.memory_space<vmem>>, %arg10: memref<1x128xf32, #tpu.memory_space<vmem>>, %arg11: memref<1000x128xf32, #tpu.memory_space<vmem>>) attributes {dimension_semantics = [#tpu.dimension_semantics<arbitrary>], iteration_bounds = array<i64: 10>, scalar_prefetch = 0 : i64, scratch_operands = 0 : i64, tpu.core_type = #tpu.core_type<tc>, window_params = [{transform_indices = @transform_0, window_bounds = array<i64: 1000, 128>}, {transform_indices = @transform_1, window_bounds = array<i64: 1000, 16>}, {transform_indices = @transform_2, window_bounds = array<i64: 1000, 128>}, {transform_indices = @transform_3, window_bounds = array<i64: 1000, 16>}, {transform_indices = @transform_4, window_bounds = array<i64: 1000, 128>}, {transform_indices = @transform_5, window_bounds = array<i64: 1000, 16>}, {transform_indices = @transform_6, window_bounds = array<i64: 1000, 128>}, {transform_indices = @transform_7, window_bounds = array<i64: 1000, 16>}, {pipeline_mode = #tpu.pipeline_mode<synchronous>, transform_indices = @transform_8, window_bounds = array<i64: 16, 128>}, {pipeline_mode = #tpu.pipeline_mode<synchronous>, transform_indices = @transform_9, window_bounds = array<i64: 1, 128>}, {transform_indices = @transform_10, window_bounds = array<i64: 1000, 128>}]} {
    %get3A = arith.constant 0 : index
    %get3A_0 = arith.constant 0 : index
    %get3A_1 = vector.load %arg1[%get3A, %get3A_0] : memref<1000x128xf32, #tpu.memory_space<vmem>>, vector<1000x128xf32>
    %get3A_2 = arith.constant 0 : index
    %get3A_3 = arith.constant 0 : index
    %get3A_4 = vector.load %arg2[%get3A_2, %get3A_3] : memref<1000x16xf32, #tpu.memory_space<vmem>>, vector<1000x16xf32>
    %get3A_5 = arith.constant 0 : index
    %get3A_6 = arith.constant 0 : index
    %get3A_7 = vector.load %arg3[%get3A_5, %get3A_6] : memref<1000x128xf32, #tpu.memory_space<vmem>>, vector<1000x128xf32>
    %add3A = arith.addf %get3A_1, %get3A_7 : vector<1000x128xf32>
    %get3A_8 = arith.constant 0 : index
    %get3A_9 = arith.constant 0 : index
    %get3A_10 = vector.load %arg4[%get3A_8, %get3A_9] : memref<1000x16xf32, #tpu.memory_space<vmem>>, vector<1000x16xf32>
    %add3A_11 = arith.addf %get3A_4, %get3A_10 : vector<1000x16xf32>
    %get3A_12 = arith.constant 0 : index
    %get3A_13 = arith.constant 0 : index
    %get3A_14 = vector.load %arg5[%get3A_12, %get3A_13] : memref<1000x128xf32, #tpu.memory_space<vmem>>, vector<1000x128xf32>
    %add3A_15 = arith.addf %add3A, %get3A_14 : vector<1000x128xf32>
    %get3A_16 = arith.constant 0 : index
    %get3A_17 = arith.constant 0 : index
    %get3A_18 = vector.load %arg6[%get3A_16, %get3A_17] : memref<1000x16xf32, #tpu.memory_space<vmem>>, vector<1000x16xf32>
    %add3A_19 = arith.addf %add3A_11, %get3A_18 : vector<1000x16xf32>
    %get3A_20 = arith.constant 0 : index
    %get3A_21 = arith.constant 0 : index
    %get3A_22 = vector.load %arg7[%get3A_20, %get3A_21] : memref<1000x128xf32, #tpu.memory_space<vmem>>, vector<1000x128xf32>
    %add3A_23 = arith.addf %add3A_15, %get3A_22 : vector<1000x128xf32>
    %get3A_24 = arith.constant 0 : index
    %get3A_25 = arith.constant 0 : index
    %get3A_26 = vector.load %arg8[%get3A_24, %get3A_25] : memref<1000x16xf32, #tpu.memory_space<vmem>>, vector<1000x16xf32>
    %add3A_27 = arith.addf %add3A_19, %get3A_26 : vector<1000x16xf32>
    %get3A_28 = arith.constant 0 : index
    %get3A_29 = arith.constant 0 : index
    %get3A_30 = vector.load %arg9[%get3A_28, %get3A_29] : memref<16x128xf32, #tpu.memory_space<vmem>>, vector<16x128xf32>
    %dot_general3A = arith.constant dense<0.000000e+00> : vector<1000x128xf32>
    %dot_general3A_31 = tpu.matmul %add3A_27, %get3A_30, %dot_general3A {dimension_numbers = #tpu.dot_dimension_numbers<[1], [0], [0], [1], [0, 0, 1, 1], [], []>, transpose_lhs_hint = false} : vector<1000x16xf32>, vector<16x128xf32>, vector<1000x128xf32> -> vector<1000x128xf32>
    %add3A_32 = arith.constant 1.000000e-16 : f32
    %add3A_33 = vector.broadcast %add3A_32 : f32 to vector<1000x128xf32>
    %add3A_34 = arith.addf %dot_general3A_31, %add3A_33 : vector<1000x128xf32>
    %div3A = arith.divf %add3A_23, %add3A_34 : vector<1000x128xf32>
    %get3A_35 = arith.constant 0 : index
    %get3A_36 = arith.constant 0 : index
    %get3A_37 = vector.load %arg10[%get3A_35, %get3A_36] : memref<1x128xf32, #tpu.memory_space<vmem>>, vector<1x128xf32>
    %add3A_38 = vector.broadcast %get3A_37 : vector<1x128xf32> to vector<1000x128xf32>
    %add3A_39 = arith.addf %div3A, %add3A_38 : vector<1000x128xf32>
    %gt3A = arith.constant 0.000000e+00 : f32
    %gt3A_40 = vector.broadcast %gt3A : f32 to vector<1000x128xf32>
    %gt3A_41 = arith.cmpf ogt, %add3A_39, %gt3A_40 : vector<1000x128xf32>
    %exp3A = math.exp %add3A_39 : vector<1000x128xf32>
    %sub3A = arith.constant 1.000000e+00 : f32
    %sub3A_42 = vector.broadcast %sub3A : f32 to vector<1000x128xf32>
    %sub3A_43 = arith.subf %exp3A, %sub3A_42 : vector<1000x128xf32>
    %select_n3A = arith.select %gt3A_41, %add3A_39, %sub3A_43 : vector<1000x128xi1>, vector<1000x128xf32>
    %swap3A = arith.constant 0 : index
    %swap3A_44 = arith.constant 0 : index
    %swap3A_45 = vector.load %arg11[%swap3A, %swap3A_44] : memref<1000x128xf32, #tpu.memory_space<vmem>>, vector<1000x128xf32>
    tpu.vector_store %arg11[%swap3A, %swap3A_44], %select_n3A {strides = array<i32>} : memref<1000x128xf32, #tpu.memory_space<vmem>>, vector<1000x128xf32>,
    return
  }
  func.func @transform_0(%arg0: i32) -> (i32, i32) {
    %c0_i32 = arith.constant 0 : i32
    %c0_i32_0 = arith.constant 0 : i32
    return %arg0, %c0_i32 : i32, i32
  }
  func.func @transform_1(%arg0: i32) -> (i32, i32) {
    %c0_i32 = arith.constant 0 : i32
    %c0_i32_0 = arith.constant 0 : i32
    return %arg0, %c0_i32 : i32, i32
  }
  func.func @transform_2(%arg0: i32) -> (i32, i32) {
    %c0_i32 = arith.constant 0 : i32
    %c0_i32_0 = arith.constant 0 : i32
    return %arg0, %c0_i32 : i32, i32
  }
  func.func @transform_3(%arg0: i32) -> (i32, i32) {
    %c0_i32 = arith.constant 0 : i32
    %c0_i32_0 = arith.constant 0 : i32
    return %arg0, %c0_i32 : i32, i32
  }
  func.func @transform_4(%arg0: i32) -> (i32, i32) {
    %c0_i32 = arith.constant 0 : i32
    %c0_i32_0 = arith.constant 0 : i32
    return %arg0, %c0_i32 : i32, i32
  }
  func.func @transform_5(%arg0: i32) -> (i32, i32) {
    %c0_i32 = arith.constant 0 : i32
    %c0_i32_0 = arith.constant 0 : i32
    return %arg0, %c0_i32 : i32, i32
  }
  func.func @transform_6(%arg0: i32) -> (i32, i32) {
    %c0_i32 = arith.constant 0 : i32
    %c0_i32_0 = arith.constant 0 : i32
    return %arg0, %c0_i32 : i32, i32
  }
  func.func @transform_7(%arg0: i32) -> (i32, i32) {
    %c0_i32 = arith.constant 0 : i32
    %c0_i32_0 = arith.constant 0 : i32
    return %arg0, %c0_i32 : i32, i32
  }
  func.func @transform_8(%arg0: i32) -> (i32, i32) {
    %c0_i32 = arith.constant 0 : i32
    %c0_i32_0 = arith.constant 0 : i32
    %c0_i32_1 = arith.constant 0 : i32
    return %c0_i32, %c0_i32_0 : i32, i32
  }
  func.func @transform_9(%arg0: i32) -> (i32, i32) {
    %c0_i32 = arith.constant 0 : i32
    %c0_i32_0 = arith.constant 0 : i32
    %c0_i32_1 = arith.constant 0 : i32
    return %c0_i32, %c0_i32_0 : i32, i32
  }
  func.func @transform_10(%arg0: i32) -> (i32, i32) {
    %c0_i32 = arith.constant 0 : i32
    %c0_i32_0 = arith.constant 0 : i32
    return %arg0, %c0_i32 : i32, i32
  }
}

module attributes {stable_mosaic.version = 14 : i64} {
  func.func @_comb2_body(%arg0: i32, %arg1: memref<1000x128xf32, #tpu.memory_space<vmem>>, %arg2: memref<1000x16xf32, #tpu.memory_space<vmem>>, %arg3: memref<1000x128xf32, #tpu.memory_space<vmem>>, %arg4: memref<1000x16xf32, #tpu.memory_space<vmem>>, %arg5: memref<1000x128xf32, #tpu.memory_space<vmem>>, %arg6: memref<1000x16xf32, #tpu.memory_space<vmem>>, %arg7: memref<1000x128xf32, #tpu.memory_space<vmem>>, %arg8: memref<1000x16xf32, #tpu.memory_space<vmem>>, %arg9: memref<16x128xf32, #tpu.memory_space<vmem>>, %arg10: memref<128x16xf32, #tpu.memory_space<vmem>>, %arg11: memref<1x16xf32, #tpu.memory_space<vmem>>, %arg12: memref<1000x16xf32, #tpu.memory_space<vmem>>) attributes {dimension_semantics = [#tpu.dimension_semantics<arbitrary>], iteration_bounds = array<i64: 10>, scalar_prefetch = 0 : i64, scratch_operands = 0 : i64, tpu.core_type = #tpu.core_type<tc>, window_params = [{transform_indices = @transform_0, window_bounds = array<i64: 1000, 128>}, {transform_indices = @transform_1, window_bounds = array<i64: 1000, 16>}, {transform_indices = @transform_2, window_bounds = array<i64: 1000, 128>}, {transform_indices = @transform_3, window_bounds = array<i64: 1000, 16>}, {transform_indices = @transform_4, window_bounds = array<i64: 1000, 128>}, {transform_indices = @transform_5, window_bounds = array<i64: 1000, 16>}, {transform_indices = @transform_6, window_bounds = array<i64: 1000, 128>}, {transform_indices = @transform_7, window_bounds = array<i64: 1000, 16>}, {pipeline_mode = #tpu.pipeline_mode<synchronous>, transform_indices = @transform_8, window_bounds = array<i64: 16, 128>}, {pipeline_mode = #tpu.pipeline_mode<synchronous>, transform_indices = @transform_9, window_bounds = array<i64: 128, 16>}, {pipeline_mode = #tpu.pipeline_mode<synchronous>, transform_indices = @transform_10, window_bounds = array<i64: 1, 16>}, {transform_indices = @transform_11, window_bounds = array<i64: 1000, 16>}]} {
    %get3A = arith.constant 0 : index
    %get3A_0 = arith.constant 0 : index
    %get3A_1 = vector.load %arg1[%get3A, %get3A_0] : memref<1000x128xf32, #tpu.memory_space<vmem>>, vector<1000x128xf32>
    %get3A_2 = arith.constant 0 : index
    %get3A_3 = arith.constant 0 : index
    %get3A_4 = vector.load %arg2[%get3A_2, %get3A_3] : memref<1000x16xf32, #tpu.memory_space<vmem>>, vector<1000x16xf32>
    %get3A_5 = arith.constant 0 : index
    %get3A_6 = arith.constant 0 : index
    %get3A_7 = vector.load %arg3[%get3A_5, %get3A_6] : memref<1000x128xf32, #tpu.memory_space<vmem>>, vector<1000x128xf32>
    %add3A = arith.addf %get3A_1, %get3A_7 : vector<1000x128xf32>
    %get3A_8 = arith.constant 0 : index
    %get3A_9 = arith.constant 0 : index
    %get3A_10 = vector.load %arg4[%get3A_8, %get3A_9] : memref<1000x16xf32, #tpu.memory_space<vmem>>, vector<1000x16xf32>
    %add3A_11 = arith.addf %get3A_4, %get3A_10 : vector<1000x16xf32>
    %get3A_12 = arith.constant 0 : index
    %get3A_13 = arith.constant 0 : index
    %get3A_14 = vector.load %arg5[%get3A_12, %get3A_13] : memref<1000x128xf32, #tpu.memory_space<vmem>>, vector<1000x128xf32>
    %add3A_15 = arith.addf %add3A, %get3A_14 : vector<1000x128xf32>
    %get3A_16 = arith.constant 0 : index
    %get3A_17 = arith.constant 0 : index
    %get3A_18 = vector.load %arg6[%get3A_16, %get3A_17] : memref<1000x16xf32, #tpu.memory_space<vmem>>, vector<1000x16xf32>
    %add3A_19 = arith.addf %add3A_11, %get3A_18 : vector<1000x16xf32>
    %get3A_20 = arith.constant 0 : index
    %get3A_21 = arith.constant 0 : index
    %get3A_22 = vector.load %arg7[%get3A_20, %get3A_21] : memref<1000x128xf32, #tpu.memory_space<vmem>>, vector<1000x128xf32>
    %add3A_23 = arith.addf %add3A_15, %get3A_22 : vector<1000x128xf32>
    %get3A_24 = arith.constant 0 : index
    %get3A_25 = arith.constant 0 : index
    %get3A_26 = vector.load %arg8[%get3A_24, %get3A_25] : memref<1000x16xf32, #tpu.memory_space<vmem>>, vector<1000x16xf32>
    %add3A_27 = arith.addf %add3A_19, %get3A_26 : vector<1000x16xf32>
    %get3A_28 = arith.constant 0 : index
    %get3A_29 = arith.constant 0 : index
    %get3A_30 = vector.load %arg9[%get3A_28, %get3A_29] : memref<16x128xf32, #tpu.memory_space<vmem>>, vector<16x128xf32>
    %dot_general3A = arith.constant dense<0.000000e+00> : vector<1000x128xf32>
    %dot_general3A_31 = tpu.matmul %add3A_27, %get3A_30, %dot_general3A {dimension_numbers = #tpu.dot_dimension_numbers<[1], [0], [0], [1], [0, 0, 1, 1], [], []>, transpose_lhs_hint = false} : vector<1000x16xf32>, vector<16x128xf32>, vector<1000x128xf32> -> vector<1000x128xf32>
    %add3A_32 = arith.constant 1.000000e-16 : f32
    %add3A_33 = vector.broadcast %add3A_32 : f32 to vector<1000x128xf32>
    %add3A_34 = arith.addf %dot_general3A_31, %add3A_33 : vector<1000x128xf32>
    %div3A = arith.divf %add3A_23, %add3A_34 : vector<1000x128xf32>
    %get3A_35 = arith.constant 0 : index
    %get3A_36 = arith.constant 0 : index
    %get3A_37 = vector.load %arg10[%get3A_35, %get3A_36] : memref<128x16xf32, #tpu.memory_space<vmem>>, vector<128x16xf32>
    %dot_general3A_38 = arith.constant dense<0.000000e+00> : vector<1000x16xf32>
    %dot_general3A_39 = tpu.matmul %div3A, %get3A_37, %dot_general3A_38 {dimension_numbers = #tpu.dot_dimension_numbers<[1], [0], [0], [1], [0, 0, 1, 1], [], []>, transpose_lhs_hint = false} : vector<1000x128xf32>, vector<128x16xf32>, vector<1000x16xf32> -> vector<1000x16xf32>
    %get3A_40 = arith.constant 0 : index
    %get3A_41 = arith.constant 0 : index
    %get3A_42 = vector.load %arg11[%get3A_40, %get3A_41] : memref<1x16xf32, #tpu.memory_space<vmem>>, vector<1x16xf32>
    %add3A_43 = vector.broadcast %get3A_42 : vector<1x16xf32> to vector<1000x16xf32>
    %add3A_44 = arith.addf %dot_general3A_39, %add3A_43 : vector<1000x16xf32>
    %swap3A = arith.constant 0 : index
    %swap3A_45 = arith.constant 0 : index
    %swap3A_46 = vector.load %arg12[%swap3A, %swap3A_45] : memref<1000x16xf32, #tpu.memory_space<vmem>>, vector<1000x16xf32>
    tpu.vector_store %arg12[%swap3A, %swap3A_45], %add3A_44 {strides = array<i32>} : memref<1000x16xf32, #tpu.memory_space<vmem>>, vector<1000x16xf32>,
    return
  }
  func.func @transform_0(%arg0: i32) -> (i32, i32) {
    %c0_i32 = arith.constant 0 : i32
    %c0_i32_0 = arith.constant 0 : i32
    return %arg0, %c0_i32 : i32, i32
  }
  func.func @transform_1(%arg0: i32) -> (i32, i32) {
    %c0_i32 = arith.constant 0 : i32
    %c0_i32_0 = arith.constant 0 : i32
    return %arg0, %c0_i32 : i32, i32
  }
  func.func @transform_2(%arg0: i32) -> (i32, i32) {
    %c0_i32 = arith.constant 0 : i32
    %c0_i32_0 = arith.constant 0 : i32
    return %arg0, %c0_i32 : i32, i32
  }
  func.func @transform_3(%arg0: i32) -> (i32, i32) {
    %c0_i32 = arith.constant 0 : i32
    %c0_i32_0 = arith.constant 0 : i32
    return %arg0, %c0_i32 : i32, i32
  }
  func.func @transform_4(%arg0: i32) -> (i32, i32) {
    %c0_i32 = arith.constant 0 : i32
    %c0_i32_0 = arith.constant 0 : i32
    return %arg0, %c0_i32 : i32, i32
  }
  func.func @transform_5(%arg0: i32) -> (i32, i32) {
    %c0_i32 = arith.constant 0 : i32
    %c0_i32_0 = arith.constant 0 : i32
    return %arg0, %c0_i32 : i32, i32
  }
  func.func @transform_6(%arg0: i32) -> (i32, i32) {
    %c0_i32 = arith.constant 0 : i32
    %c0_i32_0 = arith.constant 0 : i32
    return %arg0, %c0_i32 : i32, i32
  }
  func.func @transform_7(%arg0: i32) -> (i32, i32) {
    %c0_i32 = arith.constant 0 : i32
    %c0_i32_0 = arith.constant 0 : i32
    return %arg0, %c0_i32 : i32, i32
  }
  func.func @transform_8(%arg0: i32) -> (i32, i32) {
    %c0_i32 = arith.constant 0 : i32
    %c0_i32_0 = arith.constant 0 : i32
    %c0_i32_1 = arith.constant 0 : i32
    return %c0_i32, %c0_i32_0 : i32, i32
  }
  func.func @transform_9(%arg0: i32) -> (i32, i32) {
    %c0_i32 = arith.constant 0 : i32
    %c0_i32_0 = arith.constant 0 : i32
    %c0_i32_1 = arith.constant 0 : i32
    return %c0_i32, %c0_i32_0 : i32, i32
  }
  func.func @transform_10(%arg0: i32) -> (i32, i32) {
    %c0_i32 = arith.constant 0 : i32
    %c0_i32_0 = arith.constant 0 : i32
    %c0_i32_1 = arith.constant 0 : i32
    return %c0_i32, %c0_i32_0 : i32, i32
  }
  func.func @transform_11(%arg0: i32) -> (i32, i32) {
    %c0_i32 = arith.constant 0 : i32
    %c0_i32_0 = arith.constant 0 : i32
    return %arg0, %c0_i32 : i32, i32
  }
}

</mosaic_0001>

<sc_bundles>
// kernel: kernel.12.cloned.1.call-start
scs
__scs_entry_jumppad:
0x0: {  	(pc) =	sbr.rel $0x88, $3  }
0x1: {  	(tag) =	ssettag $0x0;
	lr =	simm.s32 $0x1  }
0x2: {  	[smem:$0x3F93] =	sst lr;
	_ =	strace $0xD0000000  }
0x3: {  	_ = 	snop  }
0x4: {  	_ = 	snop  }
0x5: {  	_ = 	snop  }
0x6: {  	_ = 	snop  }
0x7: {  	_ = 	snop  }
__scs_overlays_trampoline_lowered:
0x8: {  	[smem:$0x3FA2] =	sst s0  }
0x9: {  	[smem:$0x3FA3] =	sst s1  }
0xa: {  	[smem:$0x3FA4] =	sst s2  }
0xb: {  	[smem:$0x3FA5] =	sst s3  }
0xc: {  	[smem:$0x3FA6] =	sst s4  }
0xd: {  	[smem:$0x3FA7] =	sst s5  }
0xe: {  	[smem:$0x3FA8] =	sst s6  }
0xf: {  	[smem:$0x3FA9] =	sst s7  }
0x10: {  	[smem:$0x3FAA] =	sst s8  }
0x11: {  	[smem:$0x3FAB] =	sst s9;
	s0 =	simm.s32 @!p0 $0x0  }
0x12: {  	s1 =	sld [smem:$0x3F91];
	s0 =	simm.s32 @p0 $0x1  }
0x13: {  	[smem:$0x3FAC] =	sst s0;
	s0 =	simm.s32 @!p1 $0x0  }
0x14: {  	s2 =	sld [smem:$0x3F90];
	s0 =	simm.s32 @p1 $0x1  }
0x15: {  	[smem:$0x3FAD] =	sst s0;
	s0 =	simm.s32 @!p2 $0x0  }
0x16: {  	s3 =	sld [smem:$0x3FDB];
	s0 =	simm.s32 @p2 $0x1  }
0x17: {  	s4 =	simm.s32 $0x1BF5;
	[smem:$0x3FAF] =	sst s0  }
0x18: {  	s0 =	sld [smem:$0x3F92];
	_ =	swait.ge [sflag:s4], $0x0  }
0x19: {  	s7 =	sld [smem:$0x3F93]  }
0x1a: {  	s8 =	sadd.s32 $0xFFFFE003, lr  }
0x1b: {  	s9 =	sadd.s32 $0xFFFFFEF7, lr;
	s5 =	simm.s32 $0xFFFFFFFF;
	p2 =	slt.u32 s8, $0xFFFFF086  }
0x1c: {  	p1 =	slt.u32 s9, $0xF7A;
	s5 =	simm.s32 @!p2 $0x0  }
0x1d: {  	s5 =	simm.s32 @p1 $0x1;
	p0 =	seq.s32 s7, s2  }
0x1e: {  	s7 =	smul.u32 @!p0 $0xF7A, s2;
	p2 =	seq.s32 @!p0 s5, $0x0  }
0x1f: {  	s9 =	smul.u32 $0xF7A, s1;
	s8 =	simm.s32 @!p0 $0x1BF5;
	p2 =	por !p2, p0  }
0x20: {  	[sflag:s8] =	ssyncset.s32 @!p0 $0xFFFFF086;
	s6 =	sadd.s32 @!p0 s3, s7;
	s7 =	simm.s32 @!p0 $0x108  }
0x21: {  	s3 =	sadd.s32 s3, s9;
	s6 =	sadd.s32 @!p0 $0x88, s6;
	s7 =	simm.s32 @p2 $0x1082  }
0x22: {  	[simem:s7], [sflag:s8] =	dma.local @!p0 [hbm:s6], $0xF7A  }
0x23: {  	s9 =	sor.u32 $0xD0000000, s2;
	s6 =	simm.s32 $0x108;
	_ =	swait.ge @!p0 [sflag:s8], $0x0  }
0x24: {  	s3 =	sadd.s32 $0x88, s3;
	s6 =	simm.s32 @!p1 $0x1082;
	[sflag:s4] =	ssyncset.s32 $0xFFFFF086  }
0x25: {  	[simem:s6], [sflag:s4] =	dma.local [hbm:s3], $0xF7A  }
0x26: {  	[smem:$0x3F93] =	sst s1;
	(tag) =	ssettag s2;
	_ =	strace s9  }
0x27: {  	s1 =	sld [smem:$0x3FA3]  }
0x28: {  	s2 =	sld [smem:$0x3FA4]  }
0x29: {  	s4 =	sld [smem:$0x3FA6]  }
0x2a: {  	p0 =	seq.s32 s5, $0x0;
	s5 =	sld [smem:$0x3FA7]  }
0x2b: {  	s6 =	sld [smem:$0x3FA8]  }
0x2c: {  	s7 =	sld [smem:$0x3FA9]  }
0x2d: {  	s3 =	simm.s32 $0x108;
	s8 =	sld [smem:$0x3FAA]  }
0x2e: {  	s3 =	simm.s32 @!p0 $0x1082;
	s9 =	sld [smem:$0x3FAB]  }
0x2f: {  	lr =	sadd.s32 s0, s3;
	s0 =	sld [smem:$0x3FA2]  }
0x30: {  	s3 =	sld [smem:$0x3FA5]  }
0x31: {  	[smem:$0x3FAE] =	sst s10  }
0x32: {  	s10 =	sld [smem:$0x3FAC];
	_ =	sdelay $0x3  }
0x33: {  	p0 =	seq.s32 s10, $0x1;
	s10 =	sld [smem:$0x3FAE];
	_ =	sdelay $0x3  }
0x34: {  	[smem:$0x3FAE] =	sst s10  }
0x35: {  	s10 =	sld [smem:$0x3FAD];
	_ =	sdelay $0x3  }
0x36: {  	p1 =	seq.s32 s10, $0x1;
	s10 =	sld [smem:$0x3FAE];
	_ =	sdelay $0x3  }
0x37: {  	[smem:$0x3FAE] =	sst s10  }
0x38: {  	s10 =	sld [smem:$0x3FAF]  }
0x39: {  	_ = 	snop;
	(pc) =	sbr.ind lr, $3  }
0x3a: {  	_ = 	snop  }
0x3b: {  	_ = 	snop  }
0x3c: {  	p2 =	seq.s32 s10, $0x1;
	s10 =	sld [smem:$0x3FAE]  }
0x3d: {  	_ =	shalt  }
0x3e: {  	_ =	shalt  }
0x3f: {  	_ =	shalt  }
0x40: {  	_ =	shalt  }
0x41: {  	_ =	shalt  }
0x42: {  	_ =	shalt  }
0x43: {  	_ =	shalt  }
0x44: {  	_ =	shalt  }
0x45: {  	_ =	shalt  }
0x46: {  	_ =	shalt  }
0x47: {  	_ =	shalt  }
0x48: {  	_ =	shalt  }
0x49: {  	_ =	shalt  }
0x4a: {  	_ =	shalt  }
0x4b: {  	_ =	shalt  }
0x4c: {  	_ =	shalt  }
0x4d: {  	_ =	shalt  }
0x4e: {  	_ =	shalt  }
0x4f: {  	_ =	shalt  }
0x50: {  	_ =	shalt  }
0x51: {  	_ =	shalt  }
0x52: {  	_ =	shalt  }
0x53: {  	_ =	shalt  }
0x54: {  	_ =	shalt  }
0x55: {  	_ =	shalt  }
0x56: {  	_ =	shalt  }
0x57: {  	_ =	shalt  }
0x58: {  	_ =	shalt  }
0x59: {  	_ =	shalt  }
0x5a: {  	_ =	shalt  }
0x5b: {  	_ =	shalt  }
0x5c: {  	_ =	shalt  }
0x5d: {  	_ =	shalt  }
0x5e: {  	_ =	shalt  }
0x5f: {  	_ =	shalt  }
0x60: {  	_ =	shalt  }
0x61: {  	_ =	shalt  }
0x62: {  	_ =	shalt  }
0x63: {  	_ =	shalt  }
0x64: {  	_ =	shalt  }
0x65: {  	_ =	shalt  }
0x66: {  	_ =	shalt  }
0x67: {  	_ =	shalt  }
0x68: {  	_ =	shalt  }
0x69: {  	_ =	shalt  }
0x6a: {  	_ =	shalt  }
0x6b: {  	_ =	shalt  }
0x6c: {  	_ =	shalt  }
0x6d: {  	_ =	shalt  }
0x6e: {  	_ =	shalt  }
0x6f: {  	_ =	shalt  }
0x70: {  	_ =	shalt  }
0x71: {  	_ =	shalt  }
0x72: {  	_ =	shalt  }
0x73: {  	_ =	shalt  }
0x74: {  	_ =	shalt  }
0x75: {  	_ =	shalt  }
0x76: {  	_ =	shalt  }
0x77: {  	_ =	shalt  }
0x78: {  	_ =	shalt  }
0x79: {  	_ =	shalt  }
0x7a: {  	_ =	shalt  }
0x7b: {  	_ =	shalt  }
0x7c: {  	_ =	shalt  }
0x7d: {  	_ =	shalt  }
0x7e: {  	_ =	shalt  }
0x7f: {  	_ =	shalt  }
0x80: {  	_ =	shalt  }
0x81: {  	_ =	shalt  }
0x82: {  	_ =	shalt  }
0x83: {  	_ =	shalt  }
0x84: {  	_ =	shalt  }
0x85: {  	_ =	shalt  }
0x86: {  	_ =	shalt  }
0x87: {  	_ =	shalt  }
.Lfunc_end0:
.L_simem_size_0:
called_computation_lowered:
.L_overlay_start_0:
0x88: {  	s2 =	sld [smem:$0x3FD9]  }
0x89: {  	s3 =	sld [smem:$0x3FFE];
	_ =	sdelay $0x1  }
0x8a: {  	s1 =	srdreg.scid  }
0x8b: {  	s0 =	sand.u32 $0x1, s1  }
0x8c: {  	s16 =	sshll.u32 s0, $0xA;
	s2 =	sadd.s32 s3, s2  }
0x8d: {  	s2 =	sadd.s32 s2, s16  }
0x8e: {  	[smem:$0x3FBA] =	sst s2  }
0x8f: {  	_ = 	snop  }
0x90: {  	(tm) =	ssettm $0x1  }
0x91: {  	s17 =	sld [smem:$0x3FFB];
	_ =	sdelay $0x3  }
0x92: {  	_ =	strace s17  }
0x93: {  	s2 =	sld [smem:$0x3FFC];
	_ =	sdelay $0x3  }
0x94: {  	_ =	strace s2  }
0x95: {  	s2 =	sld [smem:$0x3FFD];
	_ =	sdelay $0x3  }
0x96: {  	_ =	strace s2  }
0x97: {  	_ =	strace $0x8FFFFFFF  }
0x98: {  	s18 =	sld [smem:$0x3FDB];
	_ =	sdelay $0x1  }
0x99: {  	s19 =	simm.s32 $_scs_section_size  }
0x9a: {  	s4 =	simm.s32 $_size__tile_overlayer_lowered;
	s5 =	simm.s32 $_tile_overlayer_lowered  }
0x9b: {  	s22 =	simm.s32 $0x1BFF;
	s21 =	sshll.u32 s5, $0x1;
	s2 =	sadd.s32 s19, s18  }
0x9c: {  	s6 =	simm.s32 $0x0;
	s20 =	sshll.u32 s4, $0x1;
	s4 =	sadd.s32 s21, s2  }
0x9d: {  	[timem:s6], [sflag:s22] =	dma.local [hbm:s4], s20  }
0x9e: {  	_ =	swait.ge [sflag:s22], s20  }
0x9f: {  	s3 =	ssub.s32 $0x0, s20;
	[sflag:s22] =	ssyncset.done $0x0  }
0xa0: {  	[sflag:s22] =	ssyncadd.s32 s3;
	_ =	sdelay $0x1  }
0xa1: {  	s23 =	simm.s32 $0x1B8B  }
0xa2: {  	_ =	swait.ge [sflag:s23], $0x1  }
0xa3: {  	[sflag:s23] =	ssyncset.done $0x0  }
0xa4: {  	s25 =	simm.s32 $0x1B8E;
	s24 =	sld [smem:$0x3FFE];
	[sflag:s23] =	ssyncadd.s32 $0xFFFFFFFF  }
0xa5: {  	s26 =	simm.s32 $execute0_lowered;
	[smem:$0x3FD2] =	sst s25  }
0xa6: {  	s4 =	sshll.u32 s26, $0x1;
	_ =	strace $0x80000046;
	[dreg:$0x1] =	wrdreg $0xFFFFFFFF  }
0xa7: {  	s28 =	simm.s32 $_size_execute0_lowered;
	s2 =	sadd.s32 s2, s4;
	[dreg:$0x0] =	wrdreg $0x0  }
0xa8: {  	s4 =	sshll.u32 s28, $0x1;
	[dreg:$0x2] =	wrdreg s2  }
0xa9: {  	[dreg:$0x3] =	wrdreg s4  }
0xaa: {  	[dreg:$0x4] =	wrdreg $0xC0  }
0xab: {  	_ =	task [dreg:s6], $0x5FFFF  }
0xac: {  	[dreg:$0x1] =	wrdreg $0xFFFFFFFF  }
0xad: {  	[dreg:$0x0] =	wrdreg $0x60  }
0xae: {  	[dreg:$0x2] =	wrdreg s24  }
0xaf: {  	[dreg:$0x3] =	wrdreg $0x9  }
0xb0: {  	_ =	task.clear_ibuf [dreg:s6], $0x4FFFF;
	_ =	strace $0x90000046  }
0xb1: {  	s29 =	simm.s32 $0x9;
	_ =	strace $0x80000048  }
0xb2: {  	_ =	swait.ge [sflag:s29], $0x1  }
0xb3: {  	[sflag:s29] =	ssyncadd.s32 $0xFFFFFFFF  }
0xb4: {  	_ =	strace $0x90000048  }
0xb5: {  	_ =	sfence  }
0xb6: {  	s30 =	sld [smem:$0x0];
	_ =	sdelay $0x2  }
0xb7: {  	s31 =	sshll.u32 s1, $0xD;
	s1 =	sshrl.u32 s1, $0x2  }
0xb8: {  	s3 =	sand.u32 $0x4000, s31;
	s1 =	sadd.s32 s1, s30  }
0xb9: {  	s0 =	sor.u32 s3, s0;
	s1 =	sshll.u32 s1, $0x11  }
0xba: {  	s0 =	sor.u32 s1, s0  }
0xbb: {  	s0 =	sadd.s32 $0x8F2B, s0  }
0xbc: {  	[sflag:s0] =	ssyncadd.remote.s32 $0x1  }
0xbd: {  	_ =	sfence.sel $0xFFFF  }
0xbe: {  	[dreg:$0x0] =	wrdreg $0xFFFFFFFF;
	(pc) =	sbr.abs _section_cstart, $3  }
0xbf: {  	[dreg:$0x1] =	wrdreg $0xFFFFFFFF  }
0xc0: {  	_ =	task.clear_ibuf [dreg:s6], $0x2FFFF;
	_ =	strace $0x9FFFFFFF  }
0xc1: {  	(tm) =	ssettm $0x7FFFFFFF  }
tec
execute0_lowered:
.L_overlay_start_1:
0x0: {  	(tag) =	ssettag $0x1  }
0x1: {  	s0 =	srdreg.scid;
	s5 =	rddreg [dreg:$0x0];
	s1 =	simm.s32 $0x0  }
0x2: {  	s12 =	simm.s32 $0x50;
	s13 =	simm.s32 $0x100;
	s3 =	sand.u32 $0x1, s0  }
0x3: {  	s14 =	simm.s32 $0x1;
	s0 =	rddreg [dreg:$0x1];
	s2 =	smul.u32 $0x7D00, s3  }
0x4: {  	s15 =	simm.s32 $0x2900;
	s16 =	simm.s32 $0x0;
	[smem:$0x7FF] =	sst s1  }
0x5: {  	s7 =	smul.u32 $0x271000, s3;
	s6 =	sadd.s32 s2, s5;
	s2 =	stileid.u32  }
0x6: {  	s4 =	sadd.s32 $0x4A600, s5;
	s8 =	ssub.s32 $0x2, s3;
	s10 =	smul.u32 $0x7D0, s2  }
0x7: {  	_ =	strace $0x80000047;
	s9 =	sshrl.u32 s8, $0x1;
	s30 =	smul.u32 $0x27100, s2  }
0x8: {  	s3 =	sadd.s32 $0x23400, s5;
	s8 =	ssub.s32 s8, s9;
	s11 =	sadd.s32 s7, s5  }
0x9: {  	s5 =	smax.u32 s8, $0x1;
	s31 =	sadd.s32 s10, s6;
	s9 =	sadd.s32 s30, s11  }
0xa: {  	s10 =	simm.s32 $0x2;
	s11 =	simm.s32 $0x80;
	s6 =	sadd.s32 $0x4000, s31  }
0xb: {  	s7 =	sadd.s32 $0x13A00, s31;
	s8 =	sadd.s32 $0x71800, s9;
	s9 =	sadd.s32 $0x553800, s9  }
.LBB2_1:
0xc: {  	s17 =	sadd.s32 $0x0, s6  }
0xd: {  	[tilespmem:s1], [sflag:$0x2] =	stream.linear.gather [hbm4b:s17+s1], $0x80, $0x38;
	[tilespmem:$0x5100] =	vst v63  }
0xe: {  	_ =	swait.ge [sflag:s10], $0x80  }
0xf: {  	[sflag:s10] =	ssyncset.done $0x0  }
0x10: {  	s31 =	sadd.s32 $0x0, s7;
	[sflag:s10] =	ssyncadd.s32 $0xFFFFFF80  }
0x11: {  	[tilespmem:s11], [sflag:$0x2] =	stream.linear.gather [hbm4b:s31+s1], $0x80, $0x38;
	[tilespmem:$0x5100] =	vst v63  }
0x12: {  	_ =	swait.ge [sflag:s10], $0x80  }
0x13: {  	[sflag:s10] =	ssyncset.done $0x0  }
0x14: {  	[sflag:s10] =	ssyncadd.s32 $0xFFFFFF80  }
0x15: {  	[tilespmem:s13], [sflag:$0x1] =	stream.indirect.gather [hbm4b:s3+s12], $0x80, s1, s12, $0xb8;
	[tilespmem:$0x5100] =	vst v63  }
0x16: {  	_ =	swait.ge [sflag:s14], $0x2800  }
0x17: {  	[sflag:s14] =	ssyncset.done $0x0  }
0x18: {  	[sflag:s14] =	ssyncadd.s32 $0xFFFFD800  }
0x19: {  	[tilespmem:s15], [sflag:$0x1] =	stream.indirect.gather [hbm4b:s4+s12], $0x80, s11, s12, $0xb8;
	[tilespmem:$0x5100] =	vst v63  }
0x1a: {  	_ =	swait.ge [sflag:s14], $0x2800  }
0x1b: {  	[sflag:s14] =	ssyncset.done $0x0  }
0x1c: {  	[sflag:s14] =	ssyncadd.s32 $0xFFFFD800  }
0x1d: {  	[hbm4b:s8+s1] =	stream.linear.scatter [tilespmem:s13], [sflag:$0x2], $0x2800, $0x38;
	[tilespmem:$0x5100] =	vst v63  }
0x1e: {  	_ =	swait.ge [sflag:s10], $0x2800  }
0x1f: {  	[sflag:s10] =	ssyncset.done $0x0  }
0x20: {  	[sflag:s10] =	ssyncadd.s32 $0xFFFFD800  }
0x21: {  	[hbm4b:s9+s1] =	stream.linear.scatter [tilespmem:s15], [sflag:$0x2], $0x2800, $0x38;
	[tilespmem:$0x5100] =	vst v63  }
0x22: {  	s19 =	simm.s32 $0x10;
	s20 =	simm.s32 $0x20;
	_ =	swait.ge [sflag:s10], $0x2800  }
0x23: {  	s18 =	sadd.s32 $0x500, s8;
	s17 =	sadd.s32 $0x500, s9;
	[sflag:s10] =	ssyncset.done $0x0  }
.LBB2_2:
0x24: {  	s21 =	sadd.s32 s19, s6  }
0x25: {  	[sflag:s10] =	ssyncadd.s32 $0xFFFFD800;
	s22 =	smov.u32 s20;
	s23 =	sadd.s32 $0x10, s20  }
0x26: {  	[tilespmem:s1], [sflag:$0x2] =	stream.linear.gather [hbm4b:s21+s1], $0x80, $0x38;
	[tilespmem:$0x5100] =	vst v63  }
0x27: {  	p0 =	sne.s32 s20, $0x7C0;
	_ =	swait.ge [sflag:s10], $0x80  }
0x28: {  	[sflag:s10] =	ssyncset.done $0x0  }
0x29: {  	s20 =	sadd.s32 s19, s7;
	s19 =	smov.u32 s22;
	[sflag:s10] =	ssyncadd.s32 $0xFFFFFF80  }
0x2a: {  	[tilespmem:s11], [sflag:$0x2] =	stream.linear.gather [hbm4b:s20+s1], $0x80, $0x38;
	[tilespmem:$0x5100] =	vst v63  }
0x2b: {  	_ =	swait.ge [sflag:s10], $0x80  }
0x2c: {  	[sflag:s10] =	ssyncset.done $0x0  }
0x2d: {  	[sflag:s10] =	ssyncadd.s32 $0xFFFFFF80  }
0x2e: {  	[tilespmem:s13], [sflag:$0x1] =	stream.indirect.gather [hbm4b:s3+s12], $0x80, s1, s12, $0xb8;
	[tilespmem:$0x5100] =	vst v63  }
0x2f: {  	_ =	swait.ge [sflag:s14], $0x2800  }
0x30: {  	[sflag:s14] =	ssyncset.done $0x0  }
0x31: {  	[sflag:s14] =	ssyncadd.s32 $0xFFFFD800  }
0x32: {  	[tilespmem:s15], [sflag:$0x1] =	stream.indirect.gather [hbm4b:s4+s12], $0x80, s11, s12, $0xb8;
	[tilespmem:$0x5100] =	vst v63  }
0x33: {  	_ =	swait.ge [sflag:s14], $0x2800  }
0x34: {  	[sflag:s14] =	ssyncset.done $0x0  }
0x35: {  	[sflag:s14] =	ssyncadd.s32 $0xFFFFD800  }
0x36: {  	[hbm4b:s18+s1] =	stream.linear.scatter [tilespmem:s13], [sflag:$0x2], $0x2800, $0x38;
	[tilespmem:$0x5100] =	vst v63  }
0x37: {  	_ =	swait.ge [sflag:s10], $0x2800  }
.Ltmp0:
0x38: {  	[sflag:s10] =	ssyncset.done $0x0;
	(pc) =	sbr.rel @p0 .LBB2_2-.Ltmp0, $4  }
0x39: {  	[sflag:s10] =	ssyncadd.s32 $0xFFFFD800  }
0x3a: {  	[hbm4b:s17+s1] =	stream.linear.scatter [tilespmem:s15], [sflag:$0x2], $0x2800, $0x38;
	[tilespmem:$0x5100] =	vst v63  }
0x3b: {  	s20 =	smov.u32 s23;
	_ =	swait.ge [sflag:s10], $0x2800  }
0x3c: {  	s18 =	sadd.s32 $0x500, s18;
	s17 =	sadd.s32 $0x500, s17;
	[sflag:s10] =	ssyncset.done $0x0  }
0x3d: {  	s20 =	sadd.s32 s19, s6;
	[sflag:s10] =	ssyncadd.s32 $0xFFFFD800  }
0x3e: {  	[tilespmem:s1], [sflag:$0x2] =	stream.linear.gather [hbm4b:s20+s1], $0x80, $0x38;
	[tilespmem:$0x5100] =	vst v63  }
0x3f: {  	_ =	swait.ge [sflag:s10], $0x80  }
0x40: {  	[sflag:s10] =	ssyncset.done $0x0  }
0x41: {  	s31 =	sadd.s32 s19, s7;
	[sflag:s10] =	ssyncadd.s32 $0xFFFFFF80  }
0x42: {  	[tilespmem:s11], [sflag:$0x2] =	stream.linear.gather [hbm4b:s31+s1], $0x80, $0x38;
	[tilespmem:$0x5100] =	vst v63  }
0x43: {  	_ =	swait.ge [sflag:s10], $0x80  }
0x44: {  	[sflag:s10] =	ssyncset.done $0x0  }
0x45: {  	[sflag:s10] =	ssyncadd.s32 $0xFFFFFF80  }
0x46: {  	[tilespmem:s13], [sflag:$0x1] =	stream.indirect.gather [hbm4b:s3+s12], $0x80, s1, s12, $0xb8;
	[tilespmem:$0x5100] =	vst v63  }
0x47: {  	_ =	swait.ge [sflag:s14], $0x2800  }
0x48: {  	[sflag:s14] =	ssyncset.done $0x0  }
0x49: {  	[sflag:s14] =	ssyncadd.s32 $0xFFFFD800  }
0x4a: {  	[tilespmem:s15], [sflag:$0x1] =	stream.indirect.gather [hbm4b:s4+s12], $0x80, s11, s12, $0xb8;
	[tilespmem:$0x5100] =	vst v63  }
0x4b: {  	_ =	swait.ge [sflag:s14], $0x2800  }
0x4c: {  	[sflag:s14] =	ssyncset.done $0x0  }
0x4d: {  	[sflag:s14] =	ssyncadd.s32 $0xFFFFD800  }
0x4e: {  	[hbm4b:s18+s1] =	stream.linear.scatter [tilespmem:s13], [sflag:$0x2], $0x2800, $0x38;
	[tilespmem:$0x5100] =	vst v63  }
0x4f: {  	s16 =	sadd.s32 $0x1, s16;
	_ =	swait.ge [sflag:s10], $0x2800  }
0x50: {  	p0 =	sne.s32 s16, s5;
	[sflag:s10] =	ssyncset.done $0x0  }
.Ltmp1:
0x51: {  	[sflag:s10] =	ssyncadd.s32 $0xFFFFD800;
	(pc) =	sbr.rel @p0 .LBB2_1-.Ltmp1, $4  }
0x52: {  	[hbm4b:s17+s1] =	stream.linear.scatter [tilespmem:s15], [sflag:$0x2], $0x2800, $0x38;
	[tilespmem:$0x5100] =	vst v63  }
0x53: {  	_ =	swait.ge [sflag:s10], $0x2800  }
0x54: {  	[sflag:s10] =	ssyncset.done $0x0  }
0x55: {  	[sflag:s10] =	ssyncadd.s32 $0xFFFFD800  }
0x56: {  	_ =	sfence.sel $0x180000  }
0x57: {  	[bflag:$0x0] =	sbarrier.arrive $0xFFFF  }
0x58: {  	p0 =	sne.s32 s2, $0x0;
	_ =	strace $0x90000047  }
0x59: {  	s0 =	sadd.s32 @!p0 $0x100000, s0;
	[bflag:$0x2] =	sbarrier.arrive $0xFFFF  }
0x5a: {  	[sflag:s0] =	ssyncadd.tile.s32 @!p0 $0x1;
	_ =	shalt  }
.Lfunc_end2:
_tile_overlayer_lowered:
.L_overlay_start_2:
0x5b: {  	(tag) =	ssettag $0x2  }
0x5c: {  	s0 =	rddreg [dreg:$0x0];
	s2 =	stileid.u32  }
0x5d: {  	s1 =	rddreg [dreg:$0x1];
	p0 =	sne.s32 s2, $0x0  }
0x5e: {  	s3 =	rddreg [dreg:$0x2];
	[bflag:$0x3] =	sbarrier.arrive $0xFFFF;
	s2 =	simm.s32 @!p0 $0x1C02  }
0x5f: {  	[timem:s3], [sflag:s2] =	dma.local @!p0 [hbm:s0], s1  }
0x60: {  	s0 =	simm.s32 @!p0 $0x2  }
0x61: {  	_ =	swait.ge @!p0 [sflag:s0], s1  }
0x62: {  	s1 =	ssub.s32 @!p0 $0x0, s1;
	[sflag:s0] =	ssyncset.done @!p0 $0x0  }
0x63: {  	[sflag:s0] =	ssyncadd.s32 @!p0 s1  }
0x64: {  	[bflag:$0x3] =	sbarrier.arrive $0xFFFF  }
0x65: {  	_ =	shalt  }

// kernel: kernel.15.cloned.1.call-start
scs
__scs_entry_jumppad:
0x0: {  	(pc) =	sbr.rel $0x88, $3  }
0x1: {  	(tag) =	ssettag $0x0;
	lr =	simm.s32 $0x1  }
0x2: {  	[smem:$0x3F93] =	sst lr;
	_ =	strace $0xD0000000  }
0x3: {  	_ = 	snop  }
0x4: {  	_ = 	snop  }
0x5: {  	_ = 	snop  }
0x6: {  	_ = 	snop  }
0x7: {  	_ = 	snop  }
__scs_overlays_trampoline_lowered:
0x8: {  	[smem:$0x3FA2] =	sst s0  }
0x9: {  	[smem:$0x3FA3] =	sst s1  }
0xa: {  	[smem:$0x3FA4] =	sst s2  }
0xb: {  	[smem:$0x3FA5] =	sst s3  }
0xc: {  	[smem:$0x3FA6] =	sst s4  }
0xd: {  	[smem:$0x3FA7] =	sst s5  }
0xe: {  	[smem:$0x3FA8] =	sst s6  }
0xf: {  	[smem:$0x3FA9] =	sst s7  }
0x10: {  	[smem:$0x3FAA] =	sst s8  }
0x11: {  	[smem:$0x3FAB] =	sst s9;
	s0 =	simm.s32 @!p0 $0x0  }
0x12: {  	s1 =	sld [smem:$0x3F91];
	s0 =	simm.s32 @p0 $0x1  }
0x13: {  	[smem:$0x3FAC] =	sst s0;
	s0 =	simm.s32 @!p1 $0x0  }
0x14: {  	s2 =	sld [smem:$0x3F90];
	s0 =	simm.s32 @p1 $0x1  }
0x15: {  	[smem:$0x3FAD] =	sst s0;
	s0 =	simm.s32 @!p2 $0x0  }
0x16: {  	s3 =	sld [smem:$0x3FDB];
	s0 =	simm.s32 @p2 $0x1  }
0x17: {  	s4 =	simm.s32 $0x1BF5;
	[smem:$0x3FAF] =	sst s0  }
0x18: {  	s0 =	sld [smem:$0x3F92];
	_ =	swait.ge [sflag:s4], $0x0  }
0x19: {  	s7 =	sld [smem:$0x3F93]  }
0x1a: {  	s8 =	sadd.s32 $0xFFFFE003, lr  }
0x1b: {  	s9 =	sadd.s32 $0xFFFFFEF7, lr;
	s5 =	simm.s32 $0xFFFFFFFF;
	p2 =	slt.u32 s8, $0xFFFFF086  }
0x1c: {  	p1 =	slt.u32 s9, $0xF7A;
	s5 =	simm.s32 @!p2 $0x0  }
0x1d: {  	s5 =	simm.s32 @p1 $0x1;
	p0 =	seq.s32 s7, s2  }
0x1e: {  	s7 =	smul.u32 @!p0 $0xF7A, s2;
	p2 =	seq.s32 @!p0 s5, $0x0  }
0x1f: {  	s9 =	smul.u32 $0xF7A, s1;
	s8 =	simm.s32 @!p0 $0x1BF5;
	p2 =	por !p2, p0  }
0x20: {  	[sflag:s8] =	ssyncset.s32 @!p0 $0xFFFFF086;
	s6 =	sadd.s32 @!p0 s3, s7;
	s7 =	simm.s32 @!p0 $0x108  }
0x21: {  	s3 =	sadd.s32 s3, s9;
	s6 =	sadd.s32 @!p0 $0x88, s6;
	s7 =	simm.s32 @p2 $0x1082  }
0x22: {  	[simem:s7], [sflag:s8] =	dma.local @!p0 [hbm:s6], $0xF7A  }
0x23: {  	s9 =	sor.u32 $0xD0000000, s2;
	s6 =	simm.s32 $0x108;
	_ =	swait.ge @!p0 [sflag:s8], $0x0  }
0x24: {  	s3 =	sadd.s32 $0x88, s3;
	s6 =	simm.s32 @!p1 $0x1082;
	[sflag:s4] =	ssyncset.s32 $0xFFFFF086  }
0x25: {  	[simem:s6], [sflag:s4] =	dma.local [hbm:s3], $0xF7A  }
0x26: {  	[smem:$0x3F93] =	sst s1;
	(tag) =	ssettag s2;
	_ =	strace s9  }
0x27: {  	s1 =	sld [smem:$0x3FA3]  }
0x28: {  	s2 =	sld [smem:$0x3FA4]  }
0x29: {  	s4 =	sld [smem:$0x3FA6]  }
0x2a: {  	p0 =	seq.s32 s5, $0x0;
	s5 =	sld [smem:$0x3FA7]  }
0x2b: {  	s6 =	sld [smem:$0x3FA8]  }
0x2c: {  	s7 =	sld [smem:$0x3FA9]  }
0x2d: {  	s3 =	simm.s32 $0x108;
	s8 =	sld [smem:$0x3FAA]  }
0x2e: {  	s3 =	simm.s32 @!p0 $0x1082;
	s9 =	sld [smem:$0x3FAB]  }
0x2f: {  	lr =	sadd.s32 s0, s3;
	s0 =	sld [smem:$0x3FA2]  }
0x30: {  	s3 =	sld [smem:$0x3FA5]  }
0x31: {  	[smem:$0x3FAE] =	sst s10  }
0x32: {  	s10 =	sld [smem:$0x3FAC];
	_ =	sdelay $0x3  }
0x33: {  	p0 =	seq.s32 s10, $0x1;
	s10 =	sld [smem:$0x3FAE];
	_ =	sdelay $0x3  }
0x34: {  	[smem:$0x3FAE] =	sst s10  }
0x35: {  	s10 =	sld [smem:$0x3FAD];
	_ =	sdelay $0x3  }
0x36: {  	p1 =	seq.s32 s10, $0x1;
	s10 =	sld [smem:$0x3FAE];
	_ =	sdelay $0x3  }
0x37: {  	[smem:$0x3FAE] =	sst s10  }
0x38: {  	s10 =	sld [smem:$0x3FAF]  }
0x39: {  	_ = 	snop;
	(pc) =	sbr.ind lr, $3  }
0x3a: {  	_ = 	snop  }
0x3b: {  	_ = 	snop  }
0x3c: {  	p2 =	seq.s32 s10, $0x1;
	s10 =	sld [smem:$0x3FAE]  }
0x3d: {  	_ =	shalt  }
0x3e: {  	_ =	shalt  }
0x3f: {  	_ =	shalt  }
0x40: {  	_ =	shalt  }
0x41: {  	_ =	shalt  }
0x42: {  	_ =	shalt  }
0x43: {  	_ =	shalt  }
0x44: {  	_ =	shalt  }
0x45: {  	_ =	shalt  }
0x46: {  	_ =	shalt  }
0x47: {  	_ =	shalt  }
0x48: {  	_ =	shalt  }
0x49: {  	_ =	shalt  }
0x4a: {  	_ =	shalt  }
0x4b: {  	_ =	shalt  }
0x4c: {  	_ =	shalt  }
0x4d: {  	_ =	shalt  }
0x4e: {  	_ =	shalt  }
0x4f: {  	_ =	shalt  }
0x50: {  	_ =	shalt  }
0x51: {  	_ =	shalt  }
0x52: {  	_ =	shalt  }
0x53: {  	_ =	shalt  }
0x54: {  	_ =	shalt  }
0x55: {  	_ =	shalt  }
0x56: {  	_ =	shalt  }
0x57: {  	_ =	shalt  }
0x58: {  	_ =	shalt  }
0x59: {  	_ =	shalt  }
0x5a: {  	_ =	shalt  }
0x5b: {  	_ =	shalt  }
0x5c: {  	_ =	shalt  }
0x5d: {  	_ =	shalt  }
0x5e: {  	_ =	shalt  }
0x5f: {  	_ =	shalt  }
0x60: {  	_ =	shalt  }
0x61: {  	_ =	shalt  }
0x62: {  	_ =	shalt  }
0x63: {  	_ =	shalt  }
0x64: {  	_ =	shalt  }
0x65: {  	_ =	shalt  }
0x66: {  	_ =	shalt  }
0x67: {  	_ =	shalt  }
0x68: {  	_ =	shalt  }
0x69: {  	_ =	shalt  }
0x6a: {  	_ =	shalt  }
0x6b: {  	_ =	shalt  }
0x6c: {  	_ =	shalt  }
0x6d: {  	_ =	shalt  }
0x6e: {  	_ =	shalt  }
0x6f: {  	_ =	shalt  }
0x70: {  	_ =	shalt  }
0x71: {  	_ =	shalt  }
0x72: {  	_ =	shalt  }
0x73: {  	_ =	shalt  }
0x74: {  	_ =	shalt  }
0x75: {  	_ =	shalt  }
0x76: {  	_ =	shalt  }
0x77: {  	_ =	shalt  }
0x78: {  	_ =	shalt  }
0x79: {  	_ =	shalt  }
0x7a: {  	_ =	shalt  }
0x7b: {  	_ =	shalt  }
0x7c: {  	_ =	shalt  }
0x7d: {  	_ =	shalt  }
0x7e: {  	_ =	shalt  }
0x7f: {  	_ =	shalt  }
0x80: {  	_ =	shalt  }
0x81: {  	_ =	shalt  }
0x82: {  	_ =	shalt  }
0x83: {  	_ =	shalt  }
0x84: {  	_ =	shalt  }
0x85: {  	_ =	shalt  }
0x86: {  	_ =	shalt  }
0x87: {  	_ =	shalt  }
.Lfunc_end0:
.L_simem_size_0:
called_computation.1_lowered:
.L_overlay_start_0:
0x88: {  	s2 =	sld [smem:$0x3FD9]  }
0x89: {  	s3 =	sld [smem:$0x3FFE];
	_ =	sdelay $0x1  }
0x8a: {  	s1 =	srdreg.scid  }
0x8b: {  	s0 =	sand.u32 $0x1, s1  }
0x8c: {  	s16 =	sshll.u32 s0, $0xA;
	s2 =	sadd.s32 s3, s2  }
0x8d: {  	s2 =	sadd.s32 s2, s16  }
0x8e: {  	[smem:$0x3FBA] =	sst s2  }
0x8f: {  	_ = 	snop  }
0x90: {  	(tm) =	ssettm $0x1  }
0x91: {  	s17 =	sld [smem:$0x3FFB];
	_ =	sdelay $0x3  }
0x92: {  	_ =	strace s17  }
0x93: {  	s2 =	sld [smem:$0x3FFC];
	_ =	sdelay $0x3  }
0x94: {  	_ =	strace s2  }
0x95: {  	s2 =	sld [smem:$0x3FFD];
	_ =	sdelay $0x3  }
0x96: {  	_ =	strace s2  }
0x97: {  	_ =	strace $0x8FFFFFFF  }
0x98: {  	s18 =	sld [smem:$0x3FDB];
	_ =	sdelay $0x1  }
0x99: {  	s19 =	simm.s32 $_scs_section_size  }
0x9a: {  	s4 =	simm.s32 $_size__tile_overlayer_lowered;
	s5 =	simm.s32 $_tile_overlayer_lowered  }
0x9b: {  	s22 =	simm.s32 $0x1BFF;
	s21 =	sshll.u32 s5, $0x1;
	s2 =	sadd.s32 s19, s18  }
0x9c: {  	s6 =	simm.s32 $0x0;
	s20 =	sshll.u32 s4, $0x1;
	s4 =	sadd.s32 s21, s2  }
0x9d: {  	[timem:s6], [sflag:s22] =	dma.local [hbm:s4], s20  }
0x9e: {  	_ =	swait.ge [sflag:s22], s20  }
0x9f: {  	s3 =	ssub.s32 $0x0, s20;
	[sflag:s22] =	ssyncset.done $0x0  }
0xa0: {  	[sflag:s22] =	ssyncadd.s32 s3;
	_ =	sdelay $0x1  }
0xa1: {  	s23 =	simm.s32 $0x1B8B  }
0xa2: {  	_ =	swait.ge [sflag:s23], $0x1  }
0xa3: {  	[sflag:s23] =	ssyncset.done $0x0  }
0xa4: {  	s25 =	simm.s32 $0x1B8E;
	s24 =	sld [smem:$0x3FFE];
	[sflag:s23] =	ssyncadd.s32 $0xFFFFFFFF  }
0xa5: {  	s26 =	simm.s32 $execute0_lowered;
	[smem:$0x3FD2] =	sst s25  }
0xa6: {  	s4 =	sshll.u32 s26, $0x1;
	_ =	strace $0x80000049;
	[dreg:$0x1] =	wrdreg $0xFFFFFFFF  }
0xa7: {  	s28 =	simm.s32 $_size_execute0_lowered;
	s2 =	sadd.s32 s2, s4;
	[dreg:$0x0] =	wrdreg $0x0  }
0xa8: {  	s4 =	sshll.u32 s28, $0x1;
	[dreg:$0x2] =	wrdreg s2  }
0xa9: {  	[dreg:$0x3] =	wrdreg s4  }
0xaa: {  	[dreg:$0x4] =	wrdreg $0xC0  }
0xab: {  	_ =	task [dreg:s6], $0x5FFFF  }
0xac: {  	[dreg:$0x1] =	wrdreg $0xFFFFFFFF  }
0xad: {  	[dreg:$0x0] =	wrdreg $0x60  }
0xae: {  	[dreg:$0x2] =	wrdreg s24  }
0xaf: {  	[dreg:$0x3] =	wrdreg $0x9  }
0xb0: {  	_ =	task.clear_ibuf [dreg:s6], $0x4FFFF;
	_ =	strace $0x90000049  }
0xb1: {  	s29 =	simm.s32 $0x9;
	_ =	strace $0x8000004B  }
0xb2: {  	_ =	swait.ge [sflag:s29], $0x1  }
0xb3: {  	[sflag:s29] =	ssyncadd.s32 $0xFFFFFFFF  }
0xb4: {  	_ =	strace $0x9000004B  }
0xb5: {  	_ =	sfence  }
0xb6: {  	s30 =	sld [smem:$0x0];
	_ =	sdelay $0x2  }
0xb7: {  	s31 =	sshll.u32 s1, $0xD;
	s1 =	sshrl.u32 s1, $0x2  }
0xb8: {  	s3 =	sand.u32 $0x4000, s31;
	s1 =	sadd.s32 s1, s30  }
0xb9: {  	s0 =	sor.u32 s3, s0;
	s1 =	sshll.u32 s1, $0x11  }
0xba: {  	s0 =	sor.u32 s1, s0  }
0xbb: {  	s0 =	sadd.s32 $0x8F2B, s0  }
0xbc: {  	[sflag:s0] =	ssyncadd.remote.s32 $0x1  }
0xbd: {  	_ =	sfence.sel $0xFFFF  }
0xbe: {  	[dreg:$0x0] =	wrdreg $0xFFFFFFFF;
	(pc) =	sbr.abs _section_cstart, $3  }
0xbf: {  	[dreg:$0x1] =	wrdreg $0xFFFFFFFF  }
0xc0: {  	_ =	task.clear_ibuf [dreg:s6], $0x2FFFF;
	_ =	strace $0x9FFFFFFF  }
0xc1: {  	(tm) =	ssettm $0x7FFFFFFF  }
tec
execute0_lowered:
.L_overlay_start_1:
0x0: {  	(tag) =	ssettag $0x1  }
0x1: {  	s0 =	srdreg.scid;
	s5 =	rddreg [dreg:$0x0];
	s1 =	simm.s32 $0x0  }
0x2: {  	s12 =	simm.s32 $0x50;
	s13 =	simm.s32 $0x100;
	s3 =	sand.u32 $0x1, s0  }
0x3: {  	s14 =	simm.s32 $0x1;
	s0 =	rddreg [dreg:$0x1];
	s2 =	smul.u32 $0x7D00, s3  }
0x4: {  	s15 =	simm.s32 $0x2900;
	s16 =	simm.s32 $0x0;
	[smem:$0x7FF] =	sst s1  }
0x5: {  	s7 =	smul.u32 $0x271000, s3;
	s6 =	sadd.s32 s2, s5;
	s2 =	stileid.u32  }
0x6: {  	s4 =	sadd.s32 $0x4A600, s5;
	s8 =	ssub.s32 $0x2, s3;
	s10 =	smul.u32 $0x7D0, s2  }
0x7: {  	_ =	strace $0x8000004A;
	s9 =	sshrl.u32 s8, $0x1;
	s30 =	smul.u32 $0x27100, s2  }
0x8: {  	s3 =	sadd.s32 $0x23400, s5;
	s8 =	ssub.s32 s8, s9;
	s11 =	sadd.s32 s7, s5  }
0x9: {  	s5 =	smax.u32 s8, $0x1;
	s31 =	sadd.s32 s10, s6;
	s9 =	sadd.s32 s30, s11  }
0xa: {  	s10 =	simm.s32 $0x2;
	s11 =	simm.s32 $0x80;
	s6 =	sadd.s32 $0x4000, s31  }
0xb: {  	s7 =	sadd.s32 $0x13A00, s31;
	s8 =	sadd.s32 $0x71800, s9;
	s9 =	sadd.s32 $0x553800, s9  }
.LBB2_1:
0xc: {  	s17 =	sadd.s32 $0x0, s6  }
0xd: {  	[tilespmem:s1], [sflag:$0x2] =	stream.linear.gather [hbm4b:s17+s1], $0x80, $0x38;
	[tilespmem:$0x5100] =	vst v63  }
0xe: {  	_ =	swait.ge [sflag:s10], $0x80  }
0xf: {  	[sflag:s10] =	ssyncset.done $0x0  }
0x10: {  	s31 =	sadd.s32 $0x0, s7;
	[sflag:s10] =	ssyncadd.s32 $0xFFFFFF80  }
0x11: {  	[tilespmem:s11], [sflag:$0x2] =	stream.linear.gather [hbm4b:s31+s1], $0x80, $0x38;
	[tilespmem:$0x5100] =	vst v63  }
0x12: {  	_ =	swait.ge [sflag:s10], $0x80  }
0x13: {  	[sflag:s10] =	ssyncset.done $0x0  }
0x14: {  	[sflag:s10] =	ssyncadd.s32 $0xFFFFFF80  }
0x15: {  	[tilespmem:s13], [sflag:$0x1] =	stream.indirect.gather [hbm4b:s3+s12], $0x80, s1, s12, $0xb8;
	[tilespmem:$0x5100] =	vst v63  }
0x16: {  	_ =	swait.ge [sflag:s14], $0x2800  }
0x17: {  	[sflag:s14] =	ssyncset.done $0x0  }
0x18: {  	[sflag:s14] =	ssyncadd.s32 $0xFFFFD800  }
0x19: {  	[tilespmem:s15], [sflag:$0x1] =	stream.indirect.gather [hbm4b:s4+s12], $0x80, s11, s12, $0xb8;
	[tilespmem:$0x5100] =	vst v63  }
0x1a: {  	_ =	swait.ge [sflag:s14], $0x2800  }
0x1b: {  	[sflag:s14] =	ssyncset.done $0x0  }
0x1c: {  	[sflag:s14] =	ssyncadd.s32 $0xFFFFD800  }
0x1d: {  	[hbm4b:s8+s1] =	stream.linear.scatter [tilespmem:s13], [sflag:$0x2], $0x2800, $0x38;
	[tilespmem:$0x5100] =	vst v63  }
0x1e: {  	_ =	swait.ge [sflag:s10], $0x2800  }
0x1f: {  	[sflag:s10] =	ssyncset.done $0x0  }
0x20: {  	[sflag:s10] =	ssyncadd.s32 $0xFFFFD800  }
0x21: {  	[hbm4b:s9+s1] =	stream.linear.scatter [tilespmem:s15], [sflag:$0x2], $0x2800, $0x38;
	[tilespmem:$0x5100] =	vst v63  }
0x22: {  	s19 =	simm.s32 $0x10;
	s20 =	simm.s32 $0x20;
	_ =	swait.ge [sflag:s10], $0x2800  }
0x23: {  	s18 =	sadd.s32 $0x500, s8;
	s17 =	sadd.s32 $0x500, s9;
	[sflag:s10] =	ssyncset.done $0x0  }
.LBB2_2:
0x24: {  	s21 =	sadd.s32 s19, s6  }
0x25: {  	[sflag:s10] =	ssyncadd.s32 $0xFFFFD800;
	s22 =	smov.u32 s20;
	s23 =	sadd.s32 $0x10, s20  }
0x26: {  	[tilespmem:s1], [sflag:$0x2] =	stream.linear.gather [hbm4b:s21+s1], $0x80, $0x38;
	[tilespmem:$0x5100] =	vst v63  }
0x27: {  	p0 =	sne.s32 s20, $0x7C0;
	_ =	swait.ge [sflag:s10], $0x80  }
0x28: {  	[sflag:s10] =	ssyncset.done $0x0  }
0x29: {  	s20 =	sadd.s32 s19, s7;
	s19 =	smov.u32 s22;
	[sflag:s10] =	ssyncadd.s32 $0xFFFFFF80  }
0x2a: {  	[tilespmem:s11], [sflag:$0x2] =	stream.linear.gather [hbm4b:s20+s1], $0x80, $0x38;
	[tilespmem:$0x5100] =	vst v63  }
0x2b: {  	_ =	swait.ge [sflag:s10], $0x80  }
0x2c: {  	[sflag:s10] =	ssyncset.done $0x0  }
0x2d: {  	[sflag:s10] =	ssyncadd.s32 $0xFFFFFF80  }
0x2e: {  	[tilespmem:s13], [sflag:$0x1] =	stream.indirect.gather [hbm4b:s3+s12], $0x80, s1, s12, $0xb8;
	[tilespmem:$0x5100] =	vst v63  }
0x2f: {  	_ =	swait.ge [sflag:s14], $0x2800  }
0x30: {  	[sflag:s14] =	ssyncset.done $0x0  }
0x31: {  	[sflag:s14] =	ssyncadd.s32 $0xFFFFD800  }
0x32: {  	[tilespmem:s15], [sflag:$0x1] =	stream.indirect.gather [hbm4b:s4+s12], $0x80, s11, s12, $0xb8;
	[tilespmem:$0x5100] =	vst v63  }
0x33: {  	_ =	swait.ge [sflag:s14], $0x2800  }
0x34: {  	[sflag:s14] =	ssyncset.done $0x0  }
0x35: {  	[sflag:s14] =	ssyncadd.s32 $0xFFFFD800  }
0x36: {  	[hbm4b:s18+s1] =	stream.linear.scatter [tilespmem:s13], [sflag:$0x2], $0x2800, $0x38;
	[tilespmem:$0x5100] =	vst v63  }
0x37: {  	_ =	swait.ge [sflag:s10], $0x2800  }
.Ltmp0:
0x38: {  	[sflag:s10] =	ssyncset.done $0x0;
	(pc) =	sbr.rel @p0 .LBB2_2-.Ltmp0, $4  }
0x39: {  	[sflag:s10] =	ssyncadd.s32 $0xFFFFD800  }
0x3a: {  	[hbm4b:s17+s1] =	stream.linear.scatter [tilespmem:s15], [sflag:$0x2], $0x2800, $0x38;
	[tilespmem:$0x5100] =	vst v63  }
0x3b: {  	s20 =	smov.u32 s23;
	_ =	swait.ge [sflag:s10], $0x2800  }
0x3c: {  	s18 =	sadd.s32 $0x500, s18;
	s17 =	sadd.s32 $0x500, s17;
	[sflag:s10] =	ssyncset.done $0x0  }
0x3d: {  	s20 =	sadd.s32 s19, s6;
	[sflag:s10] =	ssyncadd.s32 $0xFFFFD800  }
0x3e: {  	[tilespmem:s1], [sflag:$0x2] =	stream.linear.gather [hbm4b:s20+s1], $0x80, $0x38;
	[tilespmem:$0x5100] =	vst v63  }
0x3f: {  	_ =	swait.ge [sflag:s10], $0x80  }
0x40: {  	[sflag:s10] =	ssyncset.done $0x0  }
0x41: {  	s31 =	sadd.s32 s19, s7;
	[sflag:s10] =	ssyncadd.s32 $0xFFFFFF80  }
0x42: {  	[tilespmem:s11], [sflag:$0x2] =	stream.linear.gather [hbm4b:s31+s1], $0x80, $0x38;
	[tilespmem:$0x5100] =	vst v63  }
0x43: {  	_ =	swait.ge [sflag:s10], $0x80  }
0x44: {  	[sflag:s10] =	ssyncset.done $0x0  }
0x45: {  	[sflag:s10] =	ssyncadd.s32 $0xFFFFFF80  }
0x46: {  	[tilespmem:s13], [sflag:$0x1] =	stream.indirect.gather [hbm4b:s3+s12], $0x80, s1, s12, $0xb8;
	[tilespmem:$0x5100] =	vst v63  }
0x47: {  	_ =	swait.ge [sflag:s14], $0x2800  }
0x48: {  	[sflag:s14] =	ssyncset.done $0x0  }
0x49: {  	[sflag:s14] =	ssyncadd.s32 $0xFFFFD800  }
0x4a: {  	[tilespmem:s15], [sflag:$0x1] =	stream.indirect.gather [hbm4b:s4+s12], $0x80, s11, s12, $0xb8;
	[tilespmem:$0x5100] =	vst v63  }
0x4b: {  	_ =	swait.ge [sflag:s14], $0x2800  }
0x4c: {  	[sflag:s14] =	ssyncset.done $0x0  }
0x4d: {  	[sflag:s14] =	ssyncadd.s32 $0xFFFFD800  }
0x4e: {  	[hbm4b:s18+s1] =	stream.linear.scatter [tilespmem:s13], [sflag:$0x2], $0x2800, $0x38;
	[tilespmem:$0x5100] =	vst v63  }
0x4f: {  	s16 =	sadd.s32 $0x1, s16;
	_ =	swait.ge [sflag:s10], $0x2800  }
0x50: {  	p0 =	sne.s32 s16, s5;
	[sflag:s10] =	ssyncset.done $0x0  }
.Ltmp1:
0x51: {  	[sflag:s10] =	ssyncadd.s32 $0xFFFFD800;
	(pc) =	sbr.rel @p0 .LBB2_1-.Ltmp1, $4  }
0x52: {  	[hbm4b:s17+s1] =	stream.linear.scatter [tilespmem:s15], [sflag:$0x2], $0x2800, $0x38;
	[tilespmem:$0x5100] =	vst v63  }
0x53: {  	_ =	swait.ge [sflag:s10], $0x2800  }
0x54: {  	[sflag:s10] =	ssyncset.done $0x0  }
0x55: {  	[sflag:s10] =	ssyncadd.s32 $0xFFFFD800  }
0x56: {  	_ =	sfence.sel $0x180000  }
0x57: {  	[bflag:$0x0] =	sbarrier.arrive $0xFFFF  }
0x58: {  	p0 =	sne.s32 s2, $0x0;
	_ =	strace $0x9000004A  }
0x59: {  	s0 =	sadd.s32 @!p0 $0x100000, s0;
	[bflag:$0x2] =	sbarrier.arrive $0xFFFF  }
0x5a: {  	[sflag:s0] =	ssyncadd.tile.s32 @!p0 $0x1;
	_ =	shalt  }
.Lfunc_end2:
_tile_overlayer_lowered:
.L_overlay_start_2:
0x5b: {  	(tag) =	ssettag $0x2  }
0x5c: {  	s0 =	rddreg [dreg:$0x0];
	s2 =	stileid.u32  }
0x5d: {  	s1 =	rddreg [dreg:$0x1];
	p0 =	sne.s32 s2, $0x0  }
0x5e: {  	s3 =	rddreg [dreg:$0x2];
	[bflag:$0x3] =	sbarrier.arrive $0xFFFF;
	s2 =	simm.s32 @!p0 $0x1C02  }
0x5f: {  	[timem:s3], [sflag:s2] =	dma.local @!p0 [hbm:s0], s1  }
0x60: {  	s0 =	simm.s32 @!p0 $0x2  }
0x61: {  	_ =	swait.ge @!p0 [sflag:s0], s1  }
0x62: {  	s1 =	ssub.s32 @!p0 $0x0, s1;
	[sflag:s0] =	ssyncset.done @!p0 $0x0  }
0x63: {  	[sflag:s0] =	ssyncadd.s32 @!p0 s1  }
0x64: {  	[bflag:$0x3] =	sbarrier.arrive $0xFFFF  }
0x65: {  	_ =	shalt  }

</sc_bundles>
